<compile_context>
chip_gen: v7x
topology: tpu7x:2x2x1
jax: 0.10.2.dev20260603
libtpu: 0.0.44.dev20260713+nightly
codegen_flags: <defaults>
</compile_context>

<pallas_src>
import functools

import jax
import jax.numpy as jnp
from jax import lax
from jax.experimental import pallas as pl
from jax.experimental.pallas import tpu as pltpu
from jax.experimental.pallas import tpu_sc as plsc

N = 50000
E = 800000
HID = 128
NP = 50176
NTILES = 32
EPT = E // NTILES
TBLK = 7168
TSTEPS = NP // TBLK

_mesh = plsc.VectorSubcoreMesh(core_axis_name="c", subcore_axis_name="s")
_sc_params = pltpu.CompilerParams(use_tc_tiling_on_sc=False)


def _deg_body(ei_ref, zeros_ref, ones_ref, out0_ref, out1_ref,
              deg_sp, dbuf, ones_v):
    c = lax.axis_index("c")
    s = lax.axis_index("s")
    wid = c * 16 + s

    @pl.when(s == 0)
    def _():
        pltpu.sync_copy(zeros_ref, deg_sp)

    pltpu.sync_copy(ones_ref, ones_v)
    pltpu.sync_copy(ei_ref.at[1, pl.ds(wid * EPT, EPT)], dbuf)
    plsc.subcore_barrier()
    pltpu.sync_copy(ones_v, deg_sp.at[dbuf], add=True)
    plsc.subcore_barrier()

    @pl.when((s == 0) & (c == 0))
    def _():
        pltpu.sync_copy(deg_sp, out0_ref)

    @pl.when((s == 0) & (c == 1))
    def _():
        pltpu.sync_copy(deg_sp, out1_ref)


_deg_call = functools.partial(
    pl.kernel,
    out_type=[
        jax.ShapeDtypeStruct((NP,), jnp.float32),
        jax.ShapeDtypeStruct((NP,), jnp.float32),
    ],
    mesh=_mesh,
    compiler_params=_sc_params,
    scratch_types=[
        pltpu.VMEM_SHARED((NP,), jnp.float32),
        pltpu.VMEM((EPT,), jnp.int32),
        pltpu.VMEM((EPT,), jnp.float32),
    ],
)(_deg_body)


def _agg_body(ei_ref, g0_ref, g1_ref, zeros_ref,
              o00_ref, o01_ref, o10_ref, o11_ref,
              g0_sp, g1_sp, acc0_sp, acc1_sp,
              sbuf, dbuf, vals0, vals1, sem0, sem1):
    c = lax.axis_index("c")
    s = lax.axis_index("s")
    wid = c * 16 + s

    @pl.when(s == 0)
    def _():
        pltpu.sync_copy(zeros_ref, acc0_sp)
        pltpu.sync_copy(zeros_ref, acc1_sp)
        pltpu.sync_copy(g0_ref, g0_sp)
        pltpu.sync_copy(g1_ref, g1_sp)

    base = wid * EPT
    cps = pltpu.async_copy(ei_ref.at[0, pl.ds(base, EPT)], sbuf, sem0)
    cpd = pltpu.async_copy(ei_ref.at[1, pl.ds(base, EPT)], dbuf, sem1)
    cps.wait()
    cpd.wait()
    plsc.subcore_barrier()
    cp0 = pltpu.async_copy(g0_sp.at[sbuf], vals0, sem0)
    cp1 = pltpu.async_copy(g1_sp.at[sbuf], vals1, sem1)
    cp0.wait()
    pltpu.sync_copy(vals0, acc0_sp.at[dbuf], add=True)
    cp1.wait()
    pltpu.sync_copy(vals1, acc1_sp.at[dbuf], add=True)
    plsc.subcore_barrier()

    @pl.when((s == 0) & (c == 0))
    def _():
        pltpu.sync_copy(acc0_sp, o00_ref)
        pltpu.sync_copy(acc1_sp, o01_ref)

    @pl.when((s == 0) & (c == 1))
    def _():
        pltpu.sync_copy(acc0_sp, o10_ref)
        pltpu.sync_copy(acc1_sp, o11_ref)


_agg_call = functools.partial(
    pl.kernel,
    out_type=[
        jax.ShapeDtypeStruct((NP,), jnp.float32),
        jax.ShapeDtypeStruct((NP,), jnp.float32),
        jax.ShapeDtypeStruct((NP,), jnp.float32),
        jax.ShapeDtypeStruct((NP,), jnp.float32),
    ],
    mesh=_mesh,
    compiler_params=_sc_params,
    scratch_types=[
        pltpu.VMEM_SHARED((NP,), jnp.float32),
        pltpu.VMEM_SHARED((NP,), jnp.float32),
        pltpu.VMEM_SHARED((NP,), jnp.float32),
        pltpu.VMEM_SHARED((NP,), jnp.float32),
        pltpu.VMEM((EPT,), jnp.int32),
        pltpu.VMEM((EPT,), jnp.int32),
        pltpu.VMEM((EPT,), jnp.float32),
        pltpu.VMEM((EPT,), jnp.float32),
        pltpu.SemaphoreType.DMA,
        pltpu.SemaphoreType.DMA,
    ],
)(_agg_body)


def _prep_body(d0_ref, d1_ref, f0_ref, f1_ref, dinv_ref, g0_ref, g1_ref):
    deg = d0_ref[...] + d1_ref[...] + 1.0
    dv = lax.rsqrt(deg)
    dinv_ref[...] = dv
    g0_ref[...] = f0_ref[...] * dv
    g1_ref[...] = f1_ref[...] * dv


_prep_call = pl.pallas_call(
    _prep_body,
    out_shape=[
        jax.ShapeDtypeStruct((NP,), jnp.float32),
        jax.ShapeDtypeStruct((NP,), jnp.float32),
        jax.ShapeDtypeStruct((NP,), jnp.float32),
    ],
)


def _head_body(o00_ref, o10_ref, o01_ref, o11_ref,
               dinv_ref, g0_ref, g1_ref, wgt_ref, bg_ref,
               lnw_ref, lnb_ref, esn_ref, w1t_ref, b1_ref, w2t_ref, b2_ref,
               out_ref, ssum, ssq):
    i = pl.program_id(0)

    @pl.when(i == 0)
    def _():
        ssum[...] = jnp.zeros((HID, 1), jnp.float32)
        ssq[...] = jnp.zeros((HID, 1), jnp.float32)

    a0 = dinv_ref[...] * (o00_ref[...] + o10_ref[...] + g0_ref[...])
    a1 = dinv_ref[...] * (o01_ref[...] + o11_ref[...] + g1_ref[...])
    amat = jnp.concatenate([a0.reshape(1, TBLK), a1.reshape(1, TBLK)], axis=0)
    xt = jnp.dot(wgt_ref[...], amat, preferred_element_type=jnp.float32)
    xt = jnp.maximum(xt + bg_ref[...], 0.0)
    node = i * TBLK + lax.broadcasted_iota(jnp.int32, (TBLK, 1), 0)
    mcol = (node < N).astype(jnp.float32)
    ssum[...] += jnp.dot(xt, mcol, preferred_element_type=jnp.float32)
    ssq[...] += jnp.dot(xt * xt, mcol, preferred_element_type=jnp.float32)

    @pl.when(i == TSTEPS - 1)
    def _():
        s_ch = ssum[...]
        s1 = jnp.sum(s_ch)
        s2 = jnp.sum(ssq[...])
        cnt = float(N) * float(HID)
        mean = s1 / cnt
        std = jnp.sqrt(s2 / cnt - mean * mean)
        pooled = ((s_ch - float(N) * mean) / (std + 1e-5) * lnw_ref[...]
                  + float(N) * lnb_ref[...])
        zt = jnp.concatenate([pooled, esn_ref[...]], axis=0)
        z1 = jnp.dot(w1t_ref[...], zt, preferred_element_type=jnp.float32)
        z1 = jnp.maximum(z1 + b1_ref[...], 0.0)
        lg = jnp.dot(w2t_ref[...], z1, preferred_element_type=jnp.float32)
        lg = lg + b2_ref[...]
        mx = jnp.max(lg, axis=0, keepdims=True)
        e = jnp.exp(lg - mx)
        out_ref[...] = lg - mx - jnp.log(jnp.sum(e, axis=0, keepdims=True))


_blk1 = pl.BlockSpec((TBLK,), lambda i: (i,))
_whole = lambda shape: pl.BlockSpec(shape, lambda i: tuple(0 for _ in shape))

_head_call = pl.pallas_call(
    _head_body,
    grid=(TSTEPS,),
    in_specs=[
        _blk1, _blk1, _blk1, _blk1, _blk1, _blk1, _blk1,
        _whole((HID, 2)),
        _whole((HID, 1)),
        _whole((HID, 1)),
        _whole((HID, 1)),
        _whole((500, 1)),
        _whole((HID, HID + 500)),
        _whole((HID, 1)),
        _whole((64, HID)),
        _whole((64, 1)),
    ],
    out_specs=pl.BlockSpec((64, 1), lambda i: (0, 0)),
    out_shape=jax.ShapeDtypeStruct((64, 1), jnp.float32),
    scratch_shapes=[
        pltpu.VMEM((HID, 1), jnp.float32),
        pltpu.VMEM((HID, 1), jnp.float32),
    ],
)


def kernel(node_feats, edge_index, esn_state, W_gcn, b_gcn, ln_w, ln_b,
           W1, b1, W2, b2):
    zeros1 = jnp.zeros((NP,), jnp.float32)
    ones_e = jnp.ones((EPT,), jnp.float32)

    deg0, deg1 = _deg_call(edge_index, zeros1, ones_e)

    ftp = jnp.pad(node_feats, ((0, NP - N), (0, 0))).T
    dinv, g0, g1 = _prep_call(deg0, deg1, ftp[0], ftp[1])

    o00, o01, o10, o11 = _agg_call(edge_index, g0, g1, zeros1)

    out_col = _head_call(
        o00, o10, o01, o11, dinv, g0, g1,
        W_gcn.T,
        b_gcn.reshape(HID, 1),
        ln_w.reshape(HID, 1), ln_b.reshape(HID, 1),
        esn_state.reshape(500, 1),
        W1.T,
        b1.reshape(HID, 1),
        W2.T,
        b2.reshape(64, 1))
    return out_col.reshape(1, 64)

# --- scband reference (transcript-rebuilt; emitter-appended) ---
"""Pipeline reference for scband-graph-reinforce-agent-33887291965745 (READ-ONLY COPY).

The authoritative reference and input builder live on the scoring server;
editing this copy changes nothing except your own understanding.
"""

import jax, jax.numpy as jnp
import numpy as np

N = 50000
E = 800000
IN_FEAT = 2
HID = 128
RES = 500
ACT = 64


def setup_inputs(seed: int = 0) -> dict:
    key = jax.random.key(seed)
    ks = jax.random.split(key, 12)
    node_feats = jax.random.normal(ks[0], (N, IN_FEAT), dtype=jnp.float32)
    edge_index = jax.random.randint(ks[1], (2, E), 0, N, dtype=jnp.int32)
    esn_state = jax.random.normal(ks[2], (1, RES), dtype=jnp.float32)
    W_gcn = jax.random.normal(ks[3], (IN_FEAT, HID), dtype=jnp.float32) * (1.0 / np.sqrt(IN_FEAT))
    b_gcn = jnp.zeros((HID,), dtype=jnp.float32)
    ln_w = jnp.ones((HID,), dtype=jnp.float32)
    ln_b = jnp.zeros((HID,), dtype=jnp.float32)
    W1 = jax.random.normal(ks[4], (HID + RES, HID), dtype=jnp.float32) * (1.0 / np.sqrt(HID + RES))
    b1 = jnp.zeros((HID,), dtype=jnp.float32)
    W2 = jax.random.normal(ks[5], (HID, ACT), dtype=jnp.float32) * (1.0 / np.sqrt(HID))
    b2 = jnp.zeros((ACT,), dtype=jnp.float32)
    return {
        "node_feats": node_feats,
        "edge_index": edge_index,
        "esn_state": esn_state,
        "W_gcn": W_gcn,
        "b_gcn": b_gcn,
        "ln_w": ln_w,
        "ln_b": ln_b,
        "W1": W1,
        "b1": b1,
        "W2": W2,
        "b2": b2,
    }


def reference(node_feats, edge_index, esn_state, W_gcn, b_gcn, ln_w, ln_b, W1, b1, W2, b2):
    n = node_feats.shape[0]
    # GCNConv: linear transform, add self-loops, sym-normalize, aggregate, bias
    h = node_feats @ W_gcn
    src = edge_index[0]
    dst = edge_index[1]
    loop = jnp.arange(n, dtype=src.dtype)
    src2 = jnp.concatenate([src, loop])
    dst2 = jnp.concatenate([dst, loop])
    deg = jnp.zeros((n,), dtype=jnp.float32).at[dst2].add(1.0)
    dinv = jax.lax.rsqrt(deg)
    norm = dinv[src2] * dinv[dst2]
    msgs = h[src2] * norm[:, None]
    agg = jax.ops.segment_sum(msgs, dst2, num_segments=n) + b_gcn
    x = jax.nn.relu(agg)
    # PyG LayerNorm (mode='graph', batch=None): global mean/std over all nodes+channels
    mean = x.mean()
    xc = x - mean
    std = jnp.sqrt((xc * xc).mean())
    xn = xc / (std + 1e-5) * ln_w + ln_b
    # global_add_pool with single graph (batch all zeros)
    pooled = xn.sum(axis=0, keepdims=True)
    z = jnp.concatenate([pooled, esn_state], axis=1)
    z = jax.nn.relu(z @ W1 + b1)
    logits = z @ W2 + b2
    return jax.nn.log_softmax(logits, axis=1)

if __name__ == "__main__":
    import jax
    _d = setup_inputs()
    print(jax.jit(kernel)(*tuple(_d.values())))

</pallas_src>

<mosaic_0001>
#map = affine_map<(d0, d1) -> (0, 0)>
#map1 = affine_map<(d0, d1) -> (0)>
module attributes {stable_mosaic.version = 14 : i64} {
  func.func @_deg_body(%arg0: i32, %arg1: i32, %arg2: memref<2x800000xi32, #tpu.memory_space<hbm>>, %arg3: memref<50176xf32, #tpu.memory_space<hbm>>, %arg4: memref<25000xf32, #tpu.memory_space<hbm>>, %arg5: memref<50176xf32, #tpu.memory_space<hbm>>, %arg6: memref<50176xf32, #tpu.memory_space<hbm>>, %arg7: memref<50176xf32, #tpu.memory_space<vmem_shared>>, %arg8: memref<25000xi32, #tpu.memory_space<vmem>>, %arg9: memref<25000xf32, #tpu.memory_space<vmem>>) attributes {dimension_semantics = [#tpu.dimension_semantics<core_parallel>, #tpu.dimension_semantics<subcore_parallel>], iteration_bounds = array<i64: 2, 16>, scalar_prefetch = 0 : i64, scratch_operands = 3 : i64, tpu.core_type = #tpu.core_type<sc_vector_subcore>, window_params = [{transform_indices = #map}, {transform_indices = #map1}, {transform_indices = #map1}, {transform_indices = #map1}, {transform_indices = #map1}]} {
    %mul3A = arith.constant 16 : i32
    %mul3A_0 = arith.muli %arg0, %mul3A : i32
    %add3A = arith.addi %mul3A_0, %arg1 : i32
    %eq3A = arith.constant 0 : i32
    %eq3A_1 = arith.cmpi eq, %arg1, %eq3A : i32
    %convert_element_type3A = arith.extui %eq3A_1 : i1 to i32
    %cond3A = arith.constant 0 : i32
    %cond3A_2 = arith.cmpi ne, %convert_element_type3A, %cond3A : i32
    scf.if %cond3A_2 {
      "tpu.region"() ({
        %run_scoped3A_21 = tpu.sem_alloc : memref<!tpu.dma_semaphore, #tpu.memory_space<semaphore_mem>>
        tpu.enqueue_dma source(%arg3 : memref<50176xf32, #tpu.memory_space<hbm>>) target(%arg7 : memref<50176xf32, #tpu.memory_space<vmem_shared>>) target_semaphore(%run_scoped3A_21 : memref<!tpu.dma_semaphore, #tpu.memory_space<semaphore_mem>>)
        tpu.wait_dma2 semaphore(%run_scoped3A_21 : memref<!tpu.dma_semaphore, #tpu.memory_space<semaphore_mem>>) src(%arg3 : memref<50176xf32, #tpu.memory_space<hbm>>) dst(%arg7 : memref<50176xf32, #tpu.memory_space<vmem_shared>>)
        tpu.yield
      }) : () -> ()
    } else {
    }
    "tpu.region"() ({
      %run_scoped3A_21 = tpu.sem_alloc : memref<!tpu.dma_semaphore, #tpu.memory_space<semaphore_mem>>
      tpu.enqueue_dma source(%arg4 : memref<25000xf32, #tpu.memory_space<hbm>>) target(%arg9 : memref<25000xf32, #tpu.memory_space<vmem>>) target_semaphore(%run_scoped3A_21 : memref<!tpu.dma_semaphore, #tpu.memory_space<semaphore_mem>>)
      tpu.wait_dma2 semaphore(%run_scoped3A_21 : memref<!tpu.dma_semaphore, #tpu.memory_space<semaphore_mem>>) src(%arg4 : memref<25000xf32, #tpu.memory_space<hbm>>) dst(%arg9 : memref<25000xf32, #tpu.memory_space<vmem>>)
      tpu.yield
    }) : () -> ()
    %mul3A_3 = arith.constant 25000 : i32
    %mul3A_4 = arith.muli %add3A, %mul3A_3 : i32
    %run_scoped3A = arith.constant 1 : i32
    "tpu.region"() ({
      %run_scoped3A_21 = tpu.sem_alloc : memref<!tpu.dma_semaphore, #tpu.memory_space<semaphore_mem>>
      %dma_start3A = tpu.memref_slice %arg2[%run_scoped3A, %mul3A_4] : memref<2x800000xi32, #tpu.memory_space<hbm>> -> memref<1x25000xi32, #tpu.memory_space<hbm>>
      %dma_start3A_22 = tpu.memref_squeeze %dma_start3A : memref<1x25000xi32, #tpu.memory_space<hbm>> -> memref<25000xi32, #tpu.memory_space<hbm>>
      %dma_start3A_23 = tpu.memref_slice %arg2[%run_scoped3A, %mul3A_4] : memref<2x800000xi32, #tpu.memory_space<hbm>> -> memref<1x25000xi32, #tpu.memory_space<hbm>>
      %dma_start3A_24 = tpu.memref_squeeze %dma_start3A_23 : memref<1x25000xi32, #tpu.memory_space<hbm>> -> memref<25000xi32, #tpu.memory_space<hbm>>
      tpu.enqueue_dma source(%dma_start3A_24 : memref<25000xi32, #tpu.memory_space<hbm>>) target(%arg8 : memref<25000xi32, #tpu.memory_space<vmem>>) target_semaphore(%run_scoped3A_21 : memref<!tpu.dma_semaphore, #tpu.memory_space<semaphore_mem>>)
      %dma_wait3A = tpu.memref_slice %arg2[%run_scoped3A, %mul3A_4] : memref<2x800000xi32, #tpu.memory_space<hbm>> -> memref<1x25000xi32, #tpu.memory_space<hbm>>
      %dma_wait3A_25 = tpu.memref_squeeze %dma_wait3A : memref<1x25000xi32, #tpu.memory_space<hbm>> -> memref<25000xi32, #tpu.memory_space<hbm>>
      %dma_wait3A_26 = tpu.memref_slice %arg2[%run_scoped3A, %mul3A_4] : memref<2x800000xi32, #tpu.memory_space<hbm>> -> memref<1x25000xi32, #tpu.memory_space<hbm>>
      %dma_wait3A_27 = tpu.memref_squeeze %dma_wait3A_26 : memref<1x25000xi32, #tpu.memory_space<hbm>> -> memref<25000xi32, #tpu.memory_space<hbm>>
      tpu.wait_dma2 semaphore(%run_scoped3A_21 : memref<!tpu.dma_semaphore, #tpu.memory_space<semaphore_mem>>) src(%dma_wait3A_27 : memref<25000xi32, #tpu.memory_space<hbm>>) dst(%arg8 : memref<25000xi32, #tpu.memory_space<vmem>>)
      tpu.yield
    }) : () -> ()
    %barrier3A = arith.constant 0 : index
    tpu.barrier barrier_id(%barrier3A)
    "tpu.region"() ({
      %run_scoped3A_21 = tpu.sem_alloc : memref<!tpu.dma_semaphore, #tpu.memory_space<semaphore_mem>>
      %dma_start3A = arith.constant 0 : i32
      %dma_start3A_22 = tpu.memref_slice %arg7[%dma_start3A] : memref<50176xf32, #tpu.memory_space<vmem_shared>> -> memref<50176xf32, #tpu.memory_space<vmem_shared>>
      tpu.enqueue_indirect_dma source(%arg9 : memref<25000xf32, #tpu.memory_space<vmem>>) target(%dma_start3A_22 : memref<50176xf32, #tpu.memory_space<vmem_shared>>) offsets(%arg8 : memref<25000xi32, #tpu.memory_space<vmem>>) semaphore(%run_scoped3A_21 : memref<!tpu.dma_semaphore, #tpu.memory_space<semaphore_mem>>) {add = true}
      %dma_wait3A = arith.constant 0 : i32
      %dma_wait3A_23 = tpu.memref_slice %arg7[%dma_wait3A] : memref<50176xf32, #tpu.memory_space<vmem_shared>> -> memref<50176xf32, #tpu.memory_space<vmem_shared>>
      tpu.wait_indirect_dma semaphore(%run_scoped3A_21 : memref<!tpu.dma_semaphore, #tpu.memory_space<semaphore_mem>>) src(%arg9 : memref<25000xf32, #tpu.memory_space<vmem>>) dst(%dma_wait3A_23 : memref<50176xf32, #tpu.memory_space<vmem_shared>>)
      tpu.yield
    }) : () -> ()
    %barrier3A_5 = arith.constant 0 : index
    tpu.barrier barrier_id(%barrier3A_5)
    %eq3A_6 = arith.constant 0 : i32
    %eq3A_7 = arith.cmpi eq, %arg1, %eq3A_6 : i32
    %eq3A_8 = arith.constant 0 : i32
    %eq3A_9 = arith.cmpi eq, %arg0, %eq3A_8 : i32
    %and3A = arith.andi %eq3A_7, %eq3A_9 : i1
    %convert_element_type3A_10 = arith.extui %and3A : i1 to i32
    %cond3A_11 = arith.constant 0 : i32
    %cond3A_12 = arith.cmpi ne, %convert_element_type3A_10, %cond3A_11 : i32
    scf.if %cond3A_12 {
      "tpu.region"() ({
        %run_scoped3A_21 = tpu.sem_alloc : memref<!tpu.dma_semaphore, #tpu.memory_space<semaphore_mem>>
        tpu.enqueue_dma source(%arg7 : memref<50176xf32, #tpu.memory_space<vmem_shared>>) target(%arg5 : memref<50176xf32, #tpu.memory_space<hbm>>) target_semaphore(%run_scoped3A_21 : memref<!tpu.dma_semaphore, #tpu.memory_space<semaphore_mem>>)
        tpu.wait_dma2 semaphore(%run_scoped3A_21 : memref<!tpu.dma_semaphore, #tpu.memory_space<semaphore_mem>>) src(%arg7 : memref<50176xf32, #tpu.memory_space<vmem_shared>>) dst(%arg5 : memref<50176xf32, #tpu.memory_space<hbm>>)
        tpu.yield
      }) : () -> ()
    } else {
    }
    %eq3A_13 = arith.constant 0 : i32
    %eq3A_14 = arith.cmpi eq, %arg1, %eq3A_13 : i32
    %eq3A_15 = arith.constant 1 : i32
    %eq3A_16 = arith.cmpi eq, %arg0, %eq3A_15 : i32
    %and3A_17 = arith.andi %eq3A_14, %eq3A_16 : i1
    %convert_element_type3A_18 = arith.extui %and3A_17 : i1 to i32
    %cond3A_19 = arith.constant 0 : i32
    %cond3A_20 = arith.cmpi ne, %convert_element_type3A_18, %cond3A_19 : i32
    scf.if %cond3A_20 {
      "tpu.region"() ({
        %run_scoped3A_21 = tpu.sem_alloc : memref<!tpu.dma_semaphore, #tpu.memory_space<semaphore_mem>>
        tpu.enqueue_dma source(%arg7 : memref<50176xf32, #tpu.memory_space<vmem_shared>>) target(%arg6 : memref<50176xf32, #tpu.memory_space<hbm>>) target_semaphore(%run_scoped3A_21 : memref<!tpu.dma_semaphore, #tpu.memory_space<semaphore_mem>>)
        tpu.wait_dma2 semaphore(%run_scoped3A_21 : memref<!tpu.dma_semaphore, #tpu.memory_space<semaphore_mem>>) src(%arg7 : memref<50176xf32, #tpu.memory_space<vmem_shared>>) dst(%arg6 : memref<50176xf32, #tpu.memory_space<hbm>>)
        tpu.yield
      }) : () -> ()
    } else {
    }
    return
  }
}

#map = affine_map<(d0, d1) -> (0, 0)>
#map1 = affine_map<(d0, d1) -> (0)>
module attributes {stable_mosaic.version = 14 : i64} {
  func.func @_agg_body(%arg0: i32, %arg1: i32, %arg2: memref<2x800000xi32, #tpu.memory_space<hbm>>, %arg3: memref<50176xf32, #tpu.memory_space<hbm>>, %arg4: memref<50176xf32, #tpu.memory_space<hbm>>, %arg5: memref<50176xf32, #tpu.memory_space<hbm>>, %arg6: memref<50176xf32, #tpu.memory_space<hbm>>, %arg7: memref<50176xf32, #tpu.memory_space<hbm>>, %arg8: memref<50176xf32, #tpu.memory_space<hbm>>, %arg9: memref<50176xf32, #tpu.memory_space<hbm>>, %arg10: memref<50176xf32, #tpu.memory_space<vmem_shared>>, %arg11: memref<50176xf32, #tpu.memory_space<vmem_shared>>, %arg12: memref<50176xf32, #tpu.memory_space<vmem_shared>>, %arg13: memref<50176xf32, #tpu.memory_space<vmem_shared>>, %arg14: memref<25000xi32, #tpu.memory_space<vmem>>, %arg15: memref<25000xi32, #tpu.memory_space<vmem>>, %arg16: memref<25000xf32, #tpu.memory_space<vmem>>, %arg17: memref<25000xf32, #tpu.memory_space<vmem>>, %arg18: memref<!tpu.dma_semaphore, #tpu.memory_space<semaphore_mem>>, %arg19: memref<!tpu.dma_semaphore, #tpu.memory_space<semaphore_mem>>) attributes {dimension_semantics = [#tpu.dimension_semantics<core_parallel>, #tpu.dimension_semantics<subcore_parallel>], iteration_bounds = array<i64: 2, 16>, scalar_prefetch = 0 : i64, scratch_operands = 10 : i64, tpu.core_type = #tpu.core_type<sc_vector_subcore>, window_params = [{transform_indices = #map}, {transform_indices = #map1}, {transform_indices = #map1}, {transform_indices = #map1}, {transform_indices = #map1}, {transform_indices = #map1}, {transform_indices = #map1}, {transform_indices = #map1}]} {
    %mul3A = arith.constant 16 : i32
    %mul3A_0 = arith.muli %arg0, %mul3A : i32
    %add3A = arith.addi %mul3A_0, %arg1 : i32
    %eq3A = arith.constant 0 : i32
    %eq3A_1 = arith.cmpi eq, %arg1, %eq3A : i32
    %convert_element_type3A = arith.extui %eq3A_1 : i1 to i32
    %cond3A = arith.constant 0 : i32
    %cond3A_2 = arith.cmpi ne, %convert_element_type3A, %cond3A : i32
    scf.if %cond3A_2 {
      "tpu.region"() ({
        %run_scoped3A = tpu.sem_alloc : memref<!tpu.dma_semaphore, #tpu.memory_space<semaphore_mem>>
        tpu.enqueue_dma source(%arg5 : memref<50176xf32, #tpu.memory_space<hbm>>) target(%arg12 : memref<50176xf32, #tpu.memory_space<vmem_shared>>) target_semaphore(%run_scoped3A : memref<!tpu.dma_semaphore, #tpu.memory_space<semaphore_mem>>)
        tpu.wait_dma2 semaphore(%run_scoped3A : memref<!tpu.dma_semaphore, #tpu.memory_space<semaphore_mem>>) src(%arg5 : memref<50176xf32, #tpu.memory_space<hbm>>) dst(%arg12 : memref<50176xf32, #tpu.memory_space<vmem_shared>>)
        tpu.yield
      }) : () -> ()
      "tpu.region"() ({
        %run_scoped3A = tpu.sem_alloc : memref<!tpu.dma_semaphore, #tpu.memory_space<semaphore_mem>>
        tpu.enqueue_dma source(%arg5 : memref<50176xf32, #tpu.memory_space<hbm>>) target(%arg13 : memref<50176xf32, #tpu.memory_space<vmem_shared>>) target_semaphore(%run_scoped3A : memref<!tpu.dma_semaphore, #tpu.memory_space<semaphore_mem>>)
        tpu.wait_dma2 semaphore(%run_scoped3A : memref<!tpu.dma_semaphore, #tpu.memory_space<semaphore_mem>>) src(%arg5 : memref<50176xf32, #tpu.memory_space<hbm>>) dst(%arg13 : memref<50176xf32, #tpu.memory_space<vmem_shared>>)
        tpu.yield
      }) : () -> ()
      "tpu.region"() ({
        %run_scoped3A = tpu.sem_alloc : memref<!tpu.dma_semaphore, #tpu.memory_space<semaphore_mem>>
        tpu.enqueue_dma source(%arg3 : memref<50176xf32, #tpu.memory_space<hbm>>) target(%arg10 : memref<50176xf32, #tpu.memory_space<vmem_shared>>) target_semaphore(%run_scoped3A : memref<!tpu.dma_semaphore, #tpu.memory_space<semaphore_mem>>)
        tpu.wait_dma2 semaphore(%run_scoped3A : memref<!tpu.dma_semaphore, #tpu.memory_space<semaphore_mem>>) src(%arg3 : memref<50176xf32, #tpu.memory_space<hbm>>) dst(%arg10 : memref<50176xf32, #tpu.memory_space<vmem_shared>>)
        tpu.yield
      }) : () -> ()
      "tpu.region"() ({
        %run_scoped3A = tpu.sem_alloc : memref<!tpu.dma_semaphore, #tpu.memory_space<semaphore_mem>>
        tpu.enqueue_dma source(%arg4 : memref<50176xf32, #tpu.memory_space<hbm>>) target(%arg11 : memref<50176xf32, #tpu.memory_space<vmem_shared>>) target_semaphore(%run_scoped3A : memref<!tpu.dma_semaphore, #tpu.memory_space<semaphore_mem>>)
        tpu.wait_dma2 semaphore(%run_scoped3A : memref<!tpu.dma_semaphore, #tpu.memory_space<semaphore_mem>>) src(%arg4 : memref<50176xf32, #tpu.memory_space<hbm>>) dst(%arg11 : memref<50176xf32, #tpu.memory_space<vmem_shared>>)
        tpu.yield
      }) : () -> ()
    } else {
    }
    %mul3A_3 = arith.constant 25000 : i32
    %mul3A_4 = arith.muli %add3A, %mul3A_3 : i32
    %dma_start3A = arith.constant 0 : i32
    %dma_start3A_5 = tpu.memref_slice %arg2[%dma_start3A, %mul3A_4] : memref<2x800000xi32, #tpu.memory_space<hbm>> -> memref<1x25000xi32, #tpu.memory_space<hbm>>
    %dma_start3A_6 = tpu.memref_squeeze %dma_start3A_5 : memref<1x25000xi32, #tpu.memory_space<hbm>> -> memref<25000xi32, #tpu.memory_space<hbm>>
    %dma_start3A_7 = tpu.memref_slice %arg2[%dma_start3A, %mul3A_4] : memref<2x800000xi32, #tpu.memory_space<hbm>> -> memref<1x25000xi32, #tpu.memory_space<hbm>>
    %dma_start3A_8 = tpu.memref_squeeze %dma_start3A_7 : memref<1x25000xi32, #tpu.memory_space<hbm>> -> memref<25000xi32, #tpu.memory_space<hbm>>
    tpu.enqueue_dma source(%dma_start3A_8 : memref<25000xi32, #tpu.memory_space<hbm>>) target(%arg14 : memref<25000xi32, #tpu.memory_space<vmem>>) target_semaphore(%arg18 : memref<!tpu.dma_semaphore, #tpu.memory_space<semaphore_mem>>)
    %dma_start3A_9 = arith.constant 1 : i32
    %dma_start3A_10 = tpu.memref_slice %arg2[%dma_start3A_9, %mul3A_4] : memref<2x800000xi32, #tpu.memory_space<hbm>> -> memref<1x25000xi32, #tpu.memory_space<hbm>>
    %dma_start3A_11 = tpu.memref_squeeze %dma_start3A_10 : memref<1x25000xi32, #tpu.memory_space<hbm>> -> memref<25000xi32, #tpu.memory_space<hbm>>
    %dma_start3A_12 = tpu.memref_slice %arg2[%dma_start3A_9, %mul3A_4] : memref<2x800000xi32, #tpu.memory_space<hbm>> -> memref<1x25000xi32, #tpu.memory_space<hbm>>
    %dma_start3A_13 = tpu.memref_squeeze %dma_start3A_12 : memref<1x25000xi32, #tpu.memory_space<hbm>> -> memref<25000xi32, #tpu.memory_space<hbm>>
    tpu.enqueue_dma source(%dma_start3A_13 : memref<25000xi32, #tpu.memory_space<hbm>>) target(%arg15 : memref<25000xi32, #tpu.memory_space<vmem>>) target_semaphore(%arg19 : memref<!tpu.dma_semaphore, #tpu.memory_space<semaphore_mem>>)
    %dma_wait3A = arith.constant 0 : i32
    %dma_wait3A_14 = tpu.memref_slice %arg2[%dma_wait3A, %mul3A_4] : memref<2x800000xi32, #tpu.memory_space<hbm>> -> memref<1x25000xi32, #tpu.memory_space<hbm>>
    %dma_wait3A_15 = tpu.memref_squeeze %dma_wait3A_14 : memref<1x25000xi32, #tpu.memory_space<hbm>> -> memref<25000xi32, #tpu.memory_space<hbm>>
    %dma_wait3A_16 = tpu.memref_slice %arg2[%dma_wait3A, %mul3A_4] : memref<2x800000xi32, #tpu.memory_space<hbm>> -> memref<1x25000xi32, #tpu.memory_space<hbm>>
    %dma_wait3A_17 = tpu.memref_squeeze %dma_wait3A_16 : memref<1x25000xi32, #tpu.memory_space<hbm>> -> memref<25000xi32, #tpu.memory_space<hbm>>
    tpu.wait_dma2 semaphore(%arg18 : memref<!tpu.dma_semaphore, #tpu.memory_space<semaphore_mem>>) src(%dma_wait3A_17 : memref<25000xi32, #tpu.memory_space<hbm>>) dst(%arg14 : memref<25000xi32, #tpu.memory_space<vmem>>)
    %dma_wait3A_18 = arith.constant 1 : i32
    %dma_wait3A_19 = tpu.memref_slice %arg2[%dma_wait3A_18, %mul3A_4] : memref<2x800000xi32, #tpu.memory_space<hbm>> -> memref<1x25000xi32, #tpu.memory_space<hbm>>
    %dma_wait3A_20 = tpu.memref_squeeze %dma_wait3A_19 : memref<1x25000xi32, #tpu.memory_space<hbm>> -> memref<25000xi32, #tpu.memory_space<hbm>>
    %dma_wait3A_21 = tpu.memref_slice %arg2[%dma_wait3A_18, %mul3A_4] : memref<2x800000xi32, #tpu.memory_space<hbm>> -> memref<1x25000xi32, #tpu.memory_space<hbm>>
    %dma_wait3A_22 = tpu.memref_squeeze %dma_wait3A_21 : memref<1x25000xi32, #tpu.memory_space<hbm>> -> memref<25000xi32, #tpu.memory_space<hbm>>
    tpu.wait_dma2 semaphore(%arg19 : memref<!tpu.dma_semaphore, #tpu.memory_space<semaphore_mem>>) src(%dma_wait3A_22 : memref<25000xi32, #tpu.memory_space<hbm>>) dst(%arg15 : memref<25000xi32, #tpu.memory_space<vmem>>)
    %barrier3A = arith.constant 0 : index
    tpu.barrier barrier_id(%barrier3A)
    %dma_start3A_23 = arith.constant 0 : i32
    %dma_start3A_24 = tpu.memref_slice %arg10[%dma_start3A_23] : memref<50176xf32, #tpu.memory_space<vmem_shared>> -> memref<50176xf32, #tpu.memory_space<vmem_shared>>
    tpu.enqueue_indirect_dma source(%dma_start3A_24 : memref<50176xf32, #tpu.memory_space<vmem_shared>>) target(%arg16 : memref<25000xf32, #tpu.memory_space<vmem>>) offsets(%arg14 : memref<25000xi32, #tpu.memory_space<vmem>>) semaphore(%arg18 : memref<!tpu.dma_semaphore, #tpu.memory_space<semaphore_mem>>)
    %dma_start3A_25 = arith.constant 0 : i32
    %dma_start3A_26 = tpu.memref_slice %arg11[%dma_start3A_25] : memref<50176xf32, #tpu.memory_space<vmem_shared>> -> memref<50176xf32, #tpu.memory_space<vmem_shared>>
    tpu.enqueue_indirect_dma source(%dma_start3A_26 : memref<50176xf32, #tpu.memory_space<vmem_shared>>) target(%arg17 : memref<25000xf32, #tpu.memory_space<vmem>>) offsets(%arg14 : memref<25000xi32, #tpu.memory_space<vmem>>) semaphore(%arg19 : memref<!tpu.dma_semaphore, #tpu.memory_space<semaphore_mem>>)
    %dma_wait3A_27 = arith.constant 0 : i32
    %dma_wait3A_28 = tpu.memref_slice %arg10[%dma_wait3A_27] : memref<50176xf32, #tpu.memory_space<vmem_shared>> -> memref<50176xf32, #tpu.memory_space<vmem_shared>>
    tpu.wait_indirect_dma semaphore(%arg18 : memref<!tpu.dma_semaphore, #tpu.memory_space<semaphore_mem>>) src(%dma_wait3A_28 : memref<50176xf32, #tpu.memory_space<vmem_shared>>) dst(%arg16 : memref<25000xf32, #tpu.memory_space<vmem>>)
    "tpu.region"() ({
      %run_scoped3A = tpu.sem_alloc : memref<!tpu.dma_semaphore, #tpu.memory_space<semaphore_mem>>
      %dma_start3A_47 = arith.constant 0 : i32
      %dma_start3A_48 = tpu.memref_slice %arg12[%dma_start3A_47] : memref<50176xf32, #tpu.memory_space<vmem_shared>> -> memref<50176xf32, #tpu.memory_space<vmem_shared>>
      tpu.enqueue_indirect_dma source(%arg16 : memref<25000xf32, #tpu.memory_space<vmem>>) target(%dma_start3A_48 : memref<50176xf32, #tpu.memory_space<vmem_shared>>) offsets(%arg15 : memref<25000xi32, #tpu.memory_space<vmem>>) semaphore(%run_scoped3A : memref<!tpu.dma_semaphore, #tpu.memory_space<semaphore_mem>>) {add = true}
      %dma_wait3A_49 = arith.constant 0 : i32
      %dma_wait3A_50 = tpu.memref_slice %arg12[%dma_wait3A_49] : memref<50176xf32, #tpu.memory_space<vmem_shared>> -> memref<50176xf32, #tpu.memory_space<vmem_shared>>
      tpu.wait_indirect_dma semaphore(%run_scoped3A : memref<!tpu.dma_semaphore, #tpu.memory_space<semaphore_mem>>) src(%arg16 : memref<25000xf32, #tpu.memory_space<vmem>>) dst(%dma_wait3A_50 : memref<50176xf32, #tpu.memory_space<vmem_shared>>)
      tpu.yield
    }) : () -> ()
    %dma_wait3A_29 = arith.constant 0 : i32
    %dma_wait3A_30 = tpu.memref_slice %arg11[%dma_wait3A_29] : memref<50176xf32, #tpu.memory_space<vmem_shared>> -> memref<50176xf32, #tpu.memory_space<vmem_shared>>
    tpu.wait_indirect_dma semaphore(%arg19 : memref<!tpu.dma_semaphore, #tpu.memory_space<semaphore_mem>>) src(%dma_wait3A_30 : memref<50176xf32, #tpu.memory_space<vmem_shared>>) dst(%arg17 : memref<25000xf32, #tpu.memory_space<vmem>>)
    "tpu.region"() ({
      %run_scoped3A = tpu.sem_alloc : memref<!tpu.dma_semaphore, #tpu.memory_space<semaphore_mem>>
      %dma_start3A_47 = arith.constant 0 : i32
      %dma_start3A_48 = tpu.memref_slice %arg13[%dma_start3A_47] : memref<50176xf32, #tpu.memory_space<vmem_shared>> -> memref<50176xf32, #tpu.memory_space<vmem_shared>>
      tpu.enqueue_indirect_dma source(%arg17 : memref<25000xf32, #tpu.memory_space<vmem>>) target(%dma_start3A_48 : memref<50176xf32, #tpu.memory_space<vmem_shared>>) offsets(%arg15 : memref<25000xi32, #tpu.memory_space<vmem>>) semaphore(%run_scoped3A : memref<!tpu.dma_semaphore, #tpu.memory_space<semaphore_mem>>) {add = true}
      %dma_wait3A_49 = arith.constant 0 : i32
      %dma_wait3A_50 = tpu.memref_slice %arg13[%dma_wait3A_49] : memref<50176xf32, #tpu.memory_space<vmem_shared>> -> memref<50176xf32, #tpu.memory_space<vmem_shared>>
      tpu.wait_indirect_dma semaphore(%run_scoped3A : memref<!tpu.dma_semaphore, #tpu.memory_space<semaphore_mem>>) src(%arg17 : memref<25000xf32, #tpu.memory_space<vmem>>) dst(%dma_wait3A_50 : memref<50176xf32, #tpu.memory_space<vmem_shared>>)
      tpu.yield
    }) : () -> ()
    %barrier3A_31 = arith.constant 0 : index
    tpu.barrier barrier_id(%barrier3A_31)
    %eq3A_32 = arith.constant 0 : i32
    %eq3A_33 = arith.cmpi eq, %arg1, %eq3A_32 : i32
    %eq3A_34 = arith.constant 0 : i32
    %eq3A_35 = arith.cmpi eq, %arg0, %eq3A_34 : i32
    %and3A = arith.andi %eq3A_33, %eq3A_35 : i1
    %convert_element_type3A_36 = arith.extui %and3A : i1 to i32
    %cond3A_37 = arith.constant 0 : i32
    %cond3A_38 = arith.cmpi ne, %convert_element_type3A_36, %cond3A_37 : i32
    scf.if %cond3A_38 {
      "tpu.region"() ({
        %run_scoped3A = tpu.sem_alloc : memref<!tpu.dma_semaphore, #tpu.memory_space<semaphore_mem>>
        tpu.enqueue_dma source(%arg12 : memref<50176xf32, #tpu.memory_space<vmem_shared>>) target(%arg6 : memref<50176xf32, #tpu.memory_space<hbm>>) target_semaphore(%run_scoped3A : memref<!tpu.dma_semaphore, #tpu.memory_space<semaphore_mem>>)
        tpu.wait_dma2 semaphore(%run_scoped3A : memref<!tpu.dma_semaphore, #tpu.memory_space<semaphore_mem>>) src(%arg12 : memref<50176xf32, #tpu.memory_space<vmem_shared>>) dst(%arg6 : memref<50176xf32, #tpu.memory_space<hbm>>)
        tpu.yield
      }) : () -> ()
      "tpu.region"() ({
        %run_scoped3A = tpu.sem_alloc : memref<!tpu.dma_semaphore, #tpu.memory_space<semaphore_mem>>
        tpu.enqueue_dma source(%arg13 : memref<50176xf32, #tpu.memory_space<vmem_shared>>) target(%arg7 : memref<50176xf32, #tpu.memory_space<hbm>>) target_semaphore(%run_scoped3A : memref<!tpu.dma_semaphore, #tpu.memory_space<semaphore_mem>>)
        tpu.wait_dma2 semaphore(%run_scoped3A : memref<!tpu.dma_semaphore, #tpu.memory_space<semaphore_mem>>) src(%arg13 : memref<50176xf32, #tpu.memory_space<vmem_shared>>) dst(%arg7 : memref<50176xf32, #tpu.memory_space<hbm>>)
        tpu.yield
      }) : () -> ()
    } else {
    }
    %eq3A_39 = arith.constant 0 : i32
    %eq3A_40 = arith.cmpi eq, %arg1, %eq3A_39 : i32
    %eq3A_41 = arith.constant 1 : i32
    %eq3A_42 = arith.cmpi eq, %arg0, %eq3A_41 : i32
    %and3A_43 = arith.andi %eq3A_40, %eq3A_42 : i1
    %convert_element_type3A_44 = arith.extui %and3A_43 : i1 to i32
    %cond3A_45 = arith.constant 0 : i32
    %cond3A_46 = arith.cmpi ne, %convert_element_type3A_44, %cond3A_45 : i32
    scf.if %cond3A_46 {
      "tpu.region"() ({
        %run_scoped3A = tpu.sem_alloc : memref<!tpu.dma_semaphore, #tpu.memory_space<semaphore_mem>>
        tpu.enqueue_dma source(%arg12 : memref<50176xf32, #tpu.memory_space<vmem_shared>>) target(%arg8 : memref<50176xf32, #tpu.memory_space<hbm>>) target_semaphore(%run_scoped3A : memref<!tpu.dma_semaphore, #tpu.memory_space<semaphore_mem>>)
        tpu.wait_dma2 semaphore(%run_scoped3A : memref<!tpu.dma_semaphore, #tpu.memory_space<semaphore_mem>>) src(%arg12 : memref<50176xf32, #tpu.memory_space<vmem_shared>>) dst(%arg8 : memref<50176xf32, #tpu.memory_space<hbm>>)
        tpu.yield
      }) : () -> ()
      "tpu.region"() ({
        %run_scoped3A = tpu.sem_alloc : memref<!tpu.dma_semaphore, #tpu.memory_space<semaphore_mem>>
        tpu.enqueue_dma source(%arg13 : memref<50176xf32, #tpu.memory_space<vmem_shared>>) target(%arg9 : memref<50176xf32, #tpu.memory_space<hbm>>) target_semaphore(%run_scoped3A : memref<!tpu.dma_semaphore, #tpu.memory_space<semaphore_mem>>)
        tpu.wait_dma2 semaphore(%run_scoped3A : memref<!tpu.dma_semaphore, #tpu.memory_space<semaphore_mem>>) src(%arg13 : memref<50176xf32, #tpu.memory_space<vmem_shared>>) dst(%arg9 : memref<50176xf32, #tpu.memory_space<hbm>>)
        tpu.yield
      }) : () -> ()
    } else {
    }
    return
  }
}

module attributes {stable_mosaic.version = 14 : i64} {
  func.func @_prep_body(%arg0: memref<50176xf32, #tpu.memory_space<vmem>>, %arg1: memref<50176xf32, #tpu.memory_space<vmem>>, %arg2: memref<50176xf32, #tpu.memory_space<vmem>>, %arg3: memref<50176xf32, #tpu.memory_space<vmem>>, %arg4: memref<50176xf32, #tpu.memory_space<vmem>>, %arg5: memref<50176xf32, #tpu.memory_space<vmem>>, %arg6: memref<50176xf32, #tpu.memory_space<vmem>>) attributes {dimension_semantics = [], scalar_prefetch = 0 : i64, scratch_operands = 0 : i64, tpu.core_type = #tpu.core_type<tc>} {
    %get3A = arith.constant 0 : index
    %get3A_0 = vector.load %arg0[%get3A] : memref<50176xf32, #tpu.memory_space<vmem>>, vector<50176xf32>
    %get3A_1 = arith.constant 0 : index
    %get3A_2 = vector.load %arg1[%get3A_1] : memref<50176xf32, #tpu.memory_space<vmem>>, vector<50176xf32>
    %add3A = arith.addf %get3A_0, %get3A_2 : vector<50176xf32>
    %add3A_3 = arith.constant 1.000000e+00 : f32
    %add3A_4 = vector.broadcast %add3A_3 : f32 to vector<50176xf32>
    %add3A_5 = arith.addf %add3A, %add3A_4 : vector<50176xf32>
    %rsqrt3A = math.rsqrt %add3A_5 : vector<50176xf32>
    %swap3A = arith.constant 0 : index
    %swap3A_6 = vector.load %arg4[%swap3A] : memref<50176xf32, #tpu.memory_space<vmem>>, vector<50176xf32>
    tpu.vector_store %arg4[%swap3A], %rsqrt3A {strides = array<i32>} : memref<50176xf32, #tpu.memory_space<vmem>>, vector<50176xf32>,
    %get3A_7 = arith.constant 0 : index
    %get3A_8 = vector.load %arg2[%get3A_7] : memref<50176xf32, #tpu.memory_space<vmem>>, vector<50176xf32>
    %mul3A = arith.mulf %get3A_8, %rsqrt3A : vector<50176xf32>
    %swap3A_9 = arith.constant 0 : index
    %swap3A_10 = vector.load %arg5[%swap3A_9] : memref<50176xf32, #tpu.memory_space<vmem>>, vector<50176xf32>
    tpu.vector_store %arg5[%swap3A_9], %mul3A {strides = array<i32>} : memref<50176xf32, #tpu.memory_space<vmem>>, vector<50176xf32>,
    %get3A_11 = arith.constant 0 : index
    %get3A_12 = vector.load %arg3[%get3A_11] : memref<50176xf32, #tpu.memory_space<vmem>>, vector<50176xf32>
    %mul3A_13 = arith.mulf %get3A_12, %rsqrt3A : vector<50176xf32>
    %swap3A_14 = arith.constant 0 : index
    %swap3A_15 = vector.load %arg6[%swap3A_14] : memref<50176xf32, #tpu.memory_space<vmem>>, vector<50176xf32>
    tpu.vector_store %arg6[%swap3A_14], %mul3A_13 {strides = array<i32>} : memref<50176xf32, #tpu.memory_space<vmem>>, vector<50176xf32>,
    return
  }
}

module attributes {stable_mosaic.version = 14 : i64} {
  func.func @_head_body(%arg0: i32, %arg1: memref<7168xf32, #tpu.memory_space<vmem>>, %arg2: memref<7168xf32, #tpu.memory_space<vmem>>, %arg3: memref<7168xf32, #tpu.memory_space<vmem>>, %arg4: memref<7168xf32, #tpu.memory_space<vmem>>, %arg5: memref<7168xf32, #tpu.memory_space<vmem>>, %arg6: memref<7168xf32, #tpu.memory_space<vmem>>, %arg7: memref<7168xf32, #tpu.memory_space<vmem>>, %arg8: memref<128x2xf32, #tpu.memory_space<vmem>>, %arg9: memref<128x1xf32, #tpu.memory_space<vmem>>, %arg10: memref<128x1xf32, #tpu.memory_space<vmem>>, %arg11: memref<128x1xf32, #tpu.memory_space<vmem>>, %arg12: memref<500x1xf32, #tpu.memory_space<vmem>>, %arg13: memref<128x628xf32, #tpu.memory_space<vmem>>, %arg14: memref<128x1xf32, #tpu.memory_space<vmem>>, %arg15: memref<64x128xf32, #tpu.memory_space<vmem>>, %arg16: memref<64x1xf32, #tpu.memory_space<vmem>>, %arg17: memref<64x1xf32, #tpu.memory_space<vmem>>, %arg18: memref<128x1xf32, #tpu.memory_space<vmem>>, %arg19: memref<128x1xf32, #tpu.memory_space<vmem>>) attributes {dimension_semantics = [#tpu.dimension_semantics<arbitrary>], iteration_bounds = array<i64: 7>, scalar_prefetch = 0 : i64, scratch_operands = 2 : i64, tpu.core_type = #tpu.core_type<tc>, window_params = [{transform_indices = @transform_0, window_bounds = array<i64: 7168>}, {transform_indices = @transform_1, window_bounds = array<i64: 7168>}, {transform_indices = @transform_2, window_bounds = array<i64: 7168>}, {transform_indices = @transform_3, window_bounds = array<i64: 7168>}, {transform_indices = @transform_4, window_bounds = array<i64: 7168>}, {transform_indices = @transform_5, window_bounds = array<i64: 7168>}, {transform_indices = @transform_6, window_bounds = array<i64: 7168>}, {pipeline_mode = #tpu.pipeline_mode<synchronous>, transform_indices = @transform_7, window_bounds = array<i64: 128, 2>}, {pipeline_mode = #tpu.pipeline_mode<synchronous>, transform_indices = @transform_8, window_bounds = array<i64: 128, 1>}, {pipeline_mode = #tpu.pipeline_mode<synchronous>, transform_indices = @transform_9, window_bounds = array<i64: 128, 1>}, {pipeline_mode = #tpu.pipeline_mode<synchronous>, transform_indices = @transform_10, window_bounds = array<i64: 128, 1>}, {pipeline_mode = #tpu.pipeline_mode<synchronous>, transform_indices = @transform_11, window_bounds = array<i64: 500, 1>}, {pipeline_mode = #tpu.pipeline_mode<synchronous>, transform_indices = @transform_12, window_bounds = array<i64: 128, 628>}, {pipeline_mode = #tpu.pipeline_mode<synchronous>, transform_indices = @transform_13, window_bounds = array<i64: 128, 1>}, {pipeline_mode = #tpu.pipeline_mode<synchronous>, transform_indices = @transform_14, window_bounds = array<i64: 64, 128>}, {pipeline_mode = #tpu.pipeline_mode<synchronous>, transform_indices = @transform_15, window_bounds = array<i64: 64, 1>}, {pipeline_mode = #tpu.pipeline_mode<synchronous>, transform_indices = @transform_16, window_bounds = array<i64: 64, 1>}]} {
    %eq3A = arith.constant 0 : i32
    %eq3A_0 = arith.cmpi eq, %arg0, %eq3A : i32
    %convert_element_type3A = arith.extui %eq3A_0 : i1 to i32
    %cond3A = arith.constant 0 : i32
    %cond3A_1 = arith.cmpi ne, %convert_element_type3A, %cond3A : i32
    scf.if %cond3A_1 {
      %broadcast_in_dim3A = arith.constant 0.000000e+00 : f32
      %broadcast_in_dim3A_64 = vector.broadcast %broadcast_in_dim3A : f32 to vector<128x1xf32>
      %swap3A_65 = arith.constant 0 : index
      %swap3A_66 = arith.constant 0 : index
      %swap3A_67 = vector.load %arg18[%swap3A_65, %swap3A_66] : memref<128x1xf32, #tpu.memory_space<vmem>>, vector<128x1xf32>
      tpu.vector_store %arg18[%swap3A_65, %swap3A_66], %broadcast_in_dim3A_64 {strides = array<i32>} : memref<128x1xf32, #tpu.memory_space<vmem>>, vector<128x1xf32>,
      %broadcast_in_dim3A_68 = arith.constant 0.000000e+00 : f32
      %broadcast_in_dim3A_69 = vector.broadcast %broadcast_in_dim3A_68 : f32 to vector<128x1xf32>
      %swap3A_70 = arith.constant 0 : index
      %swap3A_71 = arith.constant 0 : index
      %swap3A_72 = vector.load %arg19[%swap3A_70, %swap3A_71] : memref<128x1xf32, #tpu.memory_space<vmem>>, vector<128x1xf32>
      tpu.vector_store %arg19[%swap3A_70, %swap3A_71], %broadcast_in_dim3A_69 {strides = array<i32>} : memref<128x1xf32, #tpu.memory_space<vmem>>, vector<128x1xf32>,
    } else {
    }
    %get3A = arith.constant 0 : index
    %get3A_2 = vector.load %arg5[%get3A] : memref<7168xf32, #tpu.memory_space<vmem>>, vector<7168xf32>
    %get3A_3 = arith.constant 0 : index
    %get3A_4 = vector.load %arg1[%get3A_3] : memref<7168xf32, #tpu.memory_space<vmem>>, vector<7168xf32>
    %get3A_5 = arith.constant 0 : index
    %get3A_6 = vector.load %arg2[%get3A_5] : memref<7168xf32, #tpu.memory_space<vmem>>, vector<7168xf32>
    %add3A = arith.addf %get3A_4, %get3A_6 : vector<7168xf32>
    %get3A_7 = arith.constant 0 : index
    %get3A_8 = vector.load %arg6[%get3A_7] : memref<7168xf32, #tpu.memory_space<vmem>>, vector<7168xf32>
    %add3A_9 = arith.addf %add3A, %get3A_8 : vector<7168xf32>
    %mul3A = arith.mulf %get3A_2, %add3A_9 : vector<7168xf32>
    %get3A_10 = arith.constant 0 : index
    %get3A_11 = vector.load %arg5[%get3A_10] : memref<7168xf32, #tpu.memory_space<vmem>>, vector<7168xf32>
    %get3A_12 = arith.constant 0 : index
    %get3A_13 = vector.load %arg3[%get3A_12] : memref<7168xf32, #tpu.memory_space<vmem>>, vector<7168xf32>
    %get3A_14 = arith.constant 0 : index
    %get3A_15 = vector.load %arg4[%get3A_14] : memref<7168xf32, #tpu.memory_space<vmem>>, vector<7168xf32>
    %add3A_16 = arith.addf %get3A_13, %get3A_15 : vector<7168xf32>
    %get3A_17 = arith.constant 0 : index
    %get3A_18 = vector.load %arg7[%get3A_17] : memref<7168xf32, #tpu.memory_space<vmem>>, vector<7168xf32>
    %add3A_19 = arith.addf %add3A_16, %get3A_18 : vector<7168xf32>
    %mul3A_20 = arith.mulf %get3A_11, %add3A_19 : vector<7168xf32>
    %reshape3A = vector.shape_cast %mul3A : vector<7168xf32> to vector<1x7168xf32>
    %reshape3A_21 = vector.shape_cast %mul3A_20 : vector<7168xf32> to vector<1x7168xf32>
    %concatenate3A = tpu.concatenate %reshape3A, %reshape3A_21 in 0 : vector<1x7168xf32>, vector<1x7168xf32> -> vector<2x7168xf32>
    %get3A_22 = arith.constant 0 : index
    %get3A_23 = arith.constant 0 : index
    %get3A_24 = vector.load %arg8[%get3A_22, %get3A_23] : memref<128x2xf32, #tpu.memory_space<vmem>>, vector<128x2xf32>
    %dot_general3A = arith.constant dense<0.000000e+00> : vector<128x7168xf32>
    %dot_general3A_25 = tpu.matmul %get3A_24, %concatenate3A, %dot_general3A {dimension_numbers = #tpu.dot_dimension_numbers<[1], [0], [0], [1], [0, 0, 1, 1], [], []>, transpose_lhs_hint = false} : vector<128x2xf32>, vector<2x7168xf32>, vector<128x7168xf32> -> vector<128x7168xf32>
    %get3A_26 = arith.constant 0 : index
    %get3A_27 = arith.constant 0 : index
    %get3A_28 = vector.load %arg9[%get3A_26, %get3A_27] : memref<128x1xf32, #tpu.memory_space<vmem>>, vector<128x1xf32>
    %add3A_29 = vector.broadcast %get3A_28 : vector<128x1xf32> to vector<128x7168xf32>
    %add3A_30 = arith.addf %dot_general3A_25, %add3A_29 : vector<128x7168xf32>
    %max3A = arith.constant 0.000000e+00 : f32
    %max3A_31 = vector.broadcast %max3A : f32 to vector<128x7168xf32>
    %max3A_32 = arith.maximumf %add3A_30, %max3A_31 : vector<128x7168xf32>
    %mul3A_33 = arith.constant 7168 : i32
    %mul3A_34 = arith.muli %arg0, %mul3A_33 : i32
    %iota3A = tpu.iota {dimensions = array<i32: 0>} : vector<7168x1xi32>
    %add3A_35 = vector.broadcast %mul3A_34 : i32 to vector<7168x1xi32>
    %add3A_36 = arith.addi %add3A_35, %iota3A : vector<7168x1xi32>
    %lt3A = arith.constant 50000 : i32
    %lt3A_37 = vector.broadcast %lt3A : i32 to vector<7168x1xi32>
    %lt3A_38 = arith.cmpi slt, %add3A_36, %lt3A_37 : vector<7168x1xi32>
    %convert_element_type3A_39 = arith.extui %lt3A_38 : vector<7168x1xi1> to vector<7168x1xi32>
    %convert_element_type3A_40 = arith.sitofp %convert_element_type3A_39 : vector<7168x1xi32> to vector<7168x1xf32>
    %get3A_41 = arith.constant 0 : index
    %get3A_42 = arith.constant 0 : index
    %get3A_43 = vector.load %arg18[%get3A_41, %get3A_42] : memref<128x1xf32, #tpu.memory_space<vmem>>, vector<128x1xf32>
    %dot_general3A_44 = arith.constant dense<0.000000e+00> : vector<128x1xf32>
    %dot_general3A_45 = tpu.matmul %max3A_32, %convert_element_type3A_40, %dot_general3A_44 {dimension_numbers = #tpu.dot_dimension_numbers<[1], [0], [0], [1], [0, 0, 1, 1], [], []>, transpose_lhs_hint = false} : vector<128x7168xf32>, vector<7168x1xf32>, vector<128x1xf32> -> vector<128x1xf32>
    %add3A_46 = arith.addf %get3A_43, %dot_general3A_45 : vector<128x1xf32>
    %swap3A = arith.constant 0 : index
    %swap3A_47 = arith.constant 0 : index
    %swap3A_48 = vector.load %arg18[%swap3A, %swap3A_47] : memref<128x1xf32, #tpu.memory_space<vmem>>, vector<128x1xf32>
    tpu.vector_store %arg18[%swap3A, %swap3A_47], %add3A_46 {strides = array<i32>} : memref<128x1xf32, #tpu.memory_space<vmem>>, vector<128x1xf32>,
    %get3A_49 = arith.constant 0 : index
    %get3A_50 = arith.constant 0 : index
    %get3A_51 = vector.load %arg19[%get3A_49, %get3A_50] : memref<128x1xf32, #tpu.memory_space<vmem>>, vector<128x1xf32>
    %mul3A_52 = arith.mulf %max3A_32, %max3A_32 : vector<128x7168xf32>
    %dot_general3A_53 = arith.constant dense<0.000000e+00> : vector<128x1xf32>
    %dot_general3A_54 = tpu.matmul %mul3A_52, %convert_element_type3A_40, %dot_general3A_53 {dimension_numbers = #tpu.dot_dimension_numbers<[1], [0], [0], [1], [0, 0, 1, 1], [], []>, transpose_lhs_hint = false} : vector<128x7168xf32>, vector<7168x1xf32>, vector<128x1xf32> -> vector<128x1xf32>
    %add3A_55 = arith.addf %get3A_51, %dot_general3A_54 : vector<128x1xf32>
    %swap3A_56 = arith.constant 0 : index
    %swap3A_57 = arith.constant 0 : index
    %swap3A_58 = vector.load %arg19[%swap3A_56, %swap3A_57] : memref<128x1xf32, #tpu.memory_space<vmem>>, vector<128x1xf32>
    tpu.vector_store %arg19[%swap3A_56, %swap3A_57], %add3A_55 {strides = array<i32>} : memref<128x1xf32, #tpu.memory_space<vmem>>, vector<128x1xf32>,
    %eq3A_59 = arith.constant 6 : i32
    %eq3A_60 = arith.cmpi eq, %arg0, %eq3A_59 : i32
    %convert_element_type3A_61 = arith.extui %eq3A_60 : i1 to i32
    %cond3A_62 = arith.constant 0 : i32
    %cond3A_63 = arith.cmpi ne, %convert_element_type3A_61, %cond3A_62 : i32
    scf.if %cond3A_63 {
      %get3A_64 = arith.constant 0 : index
      %get3A_65 = arith.constant 0 : index
      %get3A_66 = vector.load %arg18[%get3A_64, %get3A_65] : memref<128x1xf32, #tpu.memory_space<vmem>>, vector<128x1xf32>
      %reduce_sum3A = vector.shape_cast %get3A_66 : vector<128x1xf32> to vector<1x128x1xf32>
      %reduce_sum3A_67 = arith.constant dense<0.000000e+00> : vector<1xf32>
      %reduce_sum3A_68 = vector.multi_reduction <add>, %reduce_sum3A, %reduce_sum3A_67 [1, 2] : vector<1x128x1xf32> to vector<1xf32>
      %reduce_sum3A_69 = vector.shape_cast %reduce_sum3A_68 : vector<1xf32> to vector<1x1x1xf32>
      %reduce_sum3A_70 = vector.extract %reduce_sum3A_69[0, 0, 0] : f32 from vector<1x1x1xf32>
      %get3A_71 = arith.constant 0 : index
      %get3A_72 = arith.constant 0 : index
      %get3A_73 = vector.load %arg19[%get3A_71, %get3A_72] : memref<128x1xf32, #tpu.memory_space<vmem>>, vector<128x1xf32>
      %reduce_sum3A_74 = vector.shape_cast %get3A_73 : vector<128x1xf32> to vector<1x128x1xf32>
      %reduce_sum3A_75 = arith.constant dense<0.000000e+00> : vector<1xf32>
      %reduce_sum3A_76 = vector.multi_reduction <add>, %reduce_sum3A_74, %reduce_sum3A_75 [1, 2] : vector<1x128x1xf32> to vector<1xf32>
      %reduce_sum3A_77 = vector.shape_cast %reduce_sum3A_76 : vector<1xf32> to vector<1x1x1xf32>
      %reduce_sum3A_78 = vector.extract %reduce_sum3A_77[0, 0, 0] : f32 from vector<1x1x1xf32>
      %div3A = arith.constant 6.400000e+06 : f32
      %div3A_79 = arith.divf %reduce_sum3A_70, %div3A : f32
      %div3A_80 = arith.constant 6.400000e+06 : f32
      %div3A_81 = arith.divf %reduce_sum3A_78, %div3A_80 : f32
      %mul3A_82 = arith.mulf %div3A_79, %div3A_79 : f32
      %sub3A = arith.subf %div3A_81, %mul3A_82 : f32
      %sqrt3A = math.sqrt %sub3A : f32
      %mul3A_83 = arith.constant 5.000000e+04 : f32
      %mul3A_84 = arith.mulf %mul3A_83, %div3A_79 : f32
      %sub3A_85 = vector.broadcast %mul3A_84 : f32 to vector<128x1xf32>
      %sub3A_86 = arith.subf %get3A_66, %sub3A_85 : vector<128x1xf32>
      %add3A_87 = arith.constant 9.99999974E-6 : f32
      %add3A_88 = arith.addf %sqrt3A, %add3A_87 : f32
      %div3A_89 = vector.broadcast %add3A_88 : f32 to vector<128x1xf32>
      %div3A_90 = arith.divf %sub3A_86, %div3A_89 : vector<128x1xf32>
      %get3A_91 = arith.constant 0 : index
      %get3A_92 = arith.constant 0 : index
      %get3A_93 = vector.load %arg10[%get3A_91, %get3A_92] : memref<128x1xf32, #tpu.memory_space<vmem>>, vector<128x1xf32>
      %mul3A_94 = arith.mulf %div3A_90, %get3A_93 : vector<128x1xf32>
      %get3A_95 = arith.constant 0 : index
      %get3A_96 = arith.constant 0 : index
      %get3A_97 = vector.load %arg11[%get3A_95, %get3A_96] : memref<128x1xf32, #tpu.memory_space<vmem>>, vector<128x1xf32>
      %mul3A_98 = arith.constant 5.000000e+04 : f32
      %mul3A_99 = vector.broadcast %mul3A_98 : f32 to vector<128x1xf32>
      %mul3A_100 = arith.mulf %mul3A_99, %get3A_97 : vector<128x1xf32>
      %add3A_101 = arith.addf %mul3A_94, %mul3A_100 : vector<128x1xf32>
      %get3A_102 = arith.constant 0 : index
      %get3A_103 = arith.constant 0 : index
      %get3A_104 = vector.load %arg12[%get3A_102, %get3A_103] : memref<500x1xf32, #tpu.memory_space<vmem>>, vector<500x1xf32>
      %concatenate3A_105 = tpu.concatenate %add3A_101, %get3A_104 in 0 : vector<128x1xf32>, vector<500x1xf32> -> vector<628x1xf32>
      %get3A_106 = arith.constant 0 : index
      %get3A_107 = arith.constant 0 : index
      %get3A_108 = vector.load %arg13[%get3A_106, %get3A_107] : memref<128x628xf32, #tpu.memory_space<vmem>>, vector<128x628xf32>
      %dot_general3A_109 = arith.constant dense<0.000000e+00> : vector<128x1xf32>
      %dot_general3A_110 = tpu.matmul %get3A_108, %concatenate3A_105, %dot_general3A_109 {dimension_numbers = #tpu.dot_dimension_numbers<[1], [0], [0], [1], [0, 0, 1, 1], [], []>, transpose_lhs_hint = false} : vector<128x628xf32>, vector<628x1xf32>, vector<128x1xf32> -> vector<128x1xf32>
      %get3A_111 = arith.constant 0 : index
      %get3A_112 = arith.constant 0 : index
      %get3A_113 = vector.load %arg14[%get3A_111, %get3A_112] : memref<128x1xf32, #tpu.memory_space<vmem>>, vector<128x1xf32>
      %add3A_114 = arith.addf %dot_general3A_110, %get3A_113 : vector<128x1xf32>
      %max3A_115 = arith.constant 0.000000e+00 : f32
      %max3A_116 = vector.broadcast %max3A_115 : f32 to vector<128x1xf32>
      %max3A_117 = arith.maximumf %add3A_114, %max3A_116 : vector<128x1xf32>
      %get3A_118 = arith.constant 0 : index
      %get3A_119 = arith.constant 0 : index
      %get3A_120 = vector.load %arg15[%get3A_118, %get3A_119] : memref<64x128xf32, #tpu.memory_space<vmem>>, vector<64x128xf32>
      %dot_general3A_121 = arith.constant dense<0.000000e+00> : vector<64x1xf32>
      %dot_general3A_122 = tpu.matmul %get3A_120, %max3A_117, %dot_general3A_121 {dimension_numbers = #tpu.dot_dimension_numbers<[1], [0], [0], [1], [0, 0, 1, 1], [], []>, transpose_lhs_hint = false} : vector<64x128xf32>, vector<128x1xf32>, vector<64x1xf32> -> vector<64x1xf32>
      %get3A_123 = arith.constant 0 : index
      %get3A_124 = arith.constant 0 : index
      %get3A_125 = vector.load %arg16[%get3A_123, %get3A_124] : memref<64x1xf32, #tpu.memory_space<vmem>>, vector<64x1xf32>
      %add3A_126 = arith.addf %dot_general3A_122, %get3A_125 : vector<64x1xf32>
      %reduce_max3A = arith.constant dense<0xFF800000> : vector<1xf32>
      %reduce_max3A_127 = vector.multi_reduction <maximumf>, %add3A_126, %reduce_max3A [0] : vector<64x1xf32> to vector<1xf32>
      %broadcast_in_dim3A = vector.shape_cast %reduce_max3A_127 : vector<1xf32> to vector<1x1xf32>
      %sub3A_128 = vector.broadcast %broadcast_in_dim3A : vector<1x1xf32> to vector<64x1xf32>
      %sub3A_129 = arith.subf %add3A_126, %sub3A_128 : vector<64x1xf32>
      %exp3A = math.exp %sub3A_129 : vector<64x1xf32>
      %sub3A_130 = vector.broadcast %broadcast_in_dim3A : vector<1x1xf32> to vector<64x1xf32>
      %sub3A_131 = arith.subf %add3A_126, %sub3A_130 : vector<64x1xf32>
      %reduce_sum3A_132 = arith.constant dense<0.000000e+00> : vector<1xf32>
      %reduce_sum3A_133 = vector.multi_reduction <add>, %exp3A, %reduce_sum3A_132 [0] : vector<64x1xf32> to vector<1xf32>
      %broadcast_in_dim3A_134 = vector.shape_cast %reduce_sum3A_133 : vector<1xf32> to vector<1x1xf32>
      %log3A = math.log %broadcast_in_dim3A_134 : vector<1x1xf32>
      %sub3A_135 = vector.broadcast %log3A : vector<1x1xf32> to vector<64x1xf32>
      %sub3A_136 = arith.subf %sub3A_131, %sub3A_135 : vector<64x1xf32>
      %swap3A_137 = arith.constant 0 : index
      %swap3A_138 = arith.constant 0 : index
      %swap3A_139 = vector.load %arg17[%swap3A_137, %swap3A_138] : memref<64x1xf32, #tpu.memory_space<vmem>>, vector<64x1xf32>
      tpu.vector_store %arg17[%swap3A_137, %swap3A_138], %sub3A_136 {strides = array<i32>} : memref<64x1xf32, #tpu.memory_space<vmem>>, vector<64x1xf32>,
    } else {
    }
    return
  }
  func.func @transform_0(%arg0: i32) -> i32 {
    %c0_i32 = arith.constant 0 : i32
    return %arg0 : i32
  }
  func.func @transform_1(%arg0: i32) -> i32 {
    %c0_i32 = arith.constant 0 : i32
    return %arg0 : i32
  }
  func.func @transform_2(%arg0: i32) -> i32 {
    %c0_i32 = arith.constant 0 : i32
    return %arg0 : i32
  }
  func.func @transform_3(%arg0: i32) -> i32 {
    %c0_i32 = arith.constant 0 : i32
    return %arg0 : i32
  }
  func.func @transform_4(%arg0: i32) -> i32 {
    %c0_i32 = arith.constant 0 : i32
    return %arg0 : i32
  }
  func.func @transform_5(%arg0: i32) -> i32 {
    %c0_i32 = arith.constant 0 : i32
    return %arg0 : i32
  }
  func.func @transform_6(%arg0: i32) -> i32 {
    %c0_i32 = arith.constant 0 : i32
    return %arg0 : i32
  }
  func.func @transform_7(%arg0: i32) -> (i32, i32) {
    %c0_i32 = arith.constant 0 : i32
    %c0_i32_0 = arith.constant 0 : i32
    %c0_i32_1 = arith.constant 0 : i32
    return %c0_i32, %c0_i32_0 : i32, i32
  }
  func.func @transform_8(%arg0: i32) -> (i32, i32) {
    %c0_i32 = arith.constant 0 : i32
    %c0_i32_0 = arith.constant 0 : i32
    %c0_i32_1 = arith.constant 0 : i32
    return %c0_i32, %c0_i32_0 : i32, i32
  }
  func.func @transform_9(%arg0: i32) -> (i32, i32) {
    %c0_i32 = arith.constant 0 : i32
    %c0_i32_0 = arith.constant 0 : i32
    %c0_i32_1 = arith.constant 0 : i32
    return %c0_i32, %c0_i32_0 : i32, i32
  }
  func.func @transform_10(%arg0: i32) -> (i32, i32) {
    %c0_i32 = arith.constant 0 : i32
    %c0_i32_0 = arith.constant 0 : i32
    %c0_i32_1 = arith.constant 0 : i32
    return %c0_i32, %c0_i32_0 : i32, i32
  }
  func.func @transform_11(%arg0: i32) -> (i32, i32) {
    %c0_i32 = arith.constant 0 : i32
    %c0_i32_0 = arith.constant 0 : i32
    %c0_i32_1 = arith.constant 0 : i32
    return %c0_i32, %c0_i32_0 : i32, i32
  }
  func.func @transform_12(%arg0: i32) -> (i32, i32) {
    %c0_i32 = arith.constant 0 : i32
    %c0_i32_0 = arith.constant 0 : i32
    %c0_i32_1 = arith.constant 0 : i32
    return %c0_i32, %c0_i32_0 : i32, i32
  }
  func.func @transform_13(%arg0: i32) -> (i32, i32) {
    %c0_i32 = arith.constant 0 : i32
    %c0_i32_0 = arith.constant 0 : i32
    %c0_i32_1 = arith.constant 0 : i32
    return %c0_i32, %c0_i32_0 : i32, i32
  }
  func.func @transform_14(%arg0: i32) -> (i32, i32) {
    %c0_i32 = arith.constant 0 : i32
    %c0_i32_0 = arith.constant 0 : i32
    %c0_i32_1 = arith.constant 0 : i32
    return %c0_i32, %c0_i32_0 : i32, i32
  }
  func.func @transform_15(%arg0: i32) -> (i32, i32) {
    %c0_i32 = arith.constant 0 : i32
    %c0_i32_0 = arith.constant 0 : i32
    %c0_i32_1 = arith.constant 0 : i32
    return %c0_i32, %c0_i32_0 : i32, i32
  }
  func.func @transform_16(%arg0: i32) -> (i32, i32) {
    %c0_i32 = arith.constant 0 : i32
    %c0_i32_0 = arith.constant 0 : i32
    %c0_i32_1 = arith.constant 0 : i32
    return %c0_i32, %c0_i32_0 : i32, i32
  }
}

</mosaic_0001>

<sc_bundles>
// kernel: kernel.6.cloned.1.call-start
scs
__scs_entry_jumppad:
0x0: {  	(pc) =	sbr.rel $0x88, $3  }
0x1: {  	(tag) =	ssettag $0x0;
	lr =	simm.s32 $0x1  }
0x2: {  	[smem:$0x3F96] =	sst lr;
	_ =	strace $0xD0000000  }
0x3: {  	_ = 	snop  }
0x4: {  	_ = 	snop  }
0x5: {  	_ = 	snop  }
0x6: {  	_ = 	snop  }
0x7: {  	_ = 	snop  }
__scs_overlays_trampoline_lowered:
0x8: {  	[smem:$0x3FA5] =	sst s0  }
0x9: {  	[smem:$0x3FA6] =	sst s1  }
0xa: {  	[smem:$0x3FA7] =	sst s2  }
0xb: {  	[smem:$0x3FA8] =	sst s3  }
0xc: {  	[smem:$0x3FA9] =	sst s4  }
0xd: {  	[smem:$0x3FAA] =	sst s5  }
0xe: {  	[smem:$0x3FAB] =	sst s6  }
0xf: {  	[smem:$0x3FAC] =	sst s7  }
0x10: {  	[smem:$0x3FAD] =	sst s8  }
0x11: {  	[smem:$0x3FAE] =	sst s9;
	s0 =	simm.s32 @!p0 $0x0  }
0x12: {  	s1 =	sld [smem:$0x3F94];
	s0 =	simm.s32 @p0 $0x1  }
0x13: {  	[smem:$0x3FAF] =	sst s0;
	s0 =	simm.s32 @!p1 $0x0  }
0x14: {  	s2 =	sld [smem:$0x3F93];
	s0 =	simm.s32 @p1 $0x1  }
0x15: {  	[smem:$0x3FB0] =	sst s0;
	s0 =	simm.s32 @!p2 $0x0  }
0x16: {  	s3 =	sld [smem:$0x3FDB];
	s0 =	simm.s32 @p2 $0x1  }
0x17: {  	s4 =	simm.s32 $0x1BF5;
	[smem:$0x3FB2] =	sst s0  }
0x18: {  	s0 =	sld [smem:$0x3F95];
	_ =	swait.ge [sflag:s4], $0x0  }
0x19: {  	s7 =	sld [smem:$0x3F96]  }
0x1a: {  	s8 =	sadd.s32 $0xFFFFE003, lr  }
0x1b: {  	s9 =	sadd.s32 $0xFFFFFEF7, lr;
	s5 =	simm.s32 $0xFFFFFFFF;
	p2 =	slt.u32 s8, $0xFFFFF086  }
0x1c: {  	p1 =	slt.u32 s9, $0xF7A;
	s5 =	simm.s32 @!p2 $0x0  }
0x1d: {  	s5 =	simm.s32 @p1 $0x1;
	p0 =	seq.s32 s7, s2  }
0x1e: {  	s7 =	smul.u32 @!p0 $0xF7A, s2;
	p2 =	seq.s32 @!p0 s5, $0x0  }
0x1f: {  	s9 =	smul.u32 $0xF7A, s1;
	s8 =	simm.s32 @!p0 $0x1BF5;
	p2 =	por !p2, p0  }
0x20: {  	[sflag:s8] =	ssyncset.s32 @!p0 $0xFFFFF086;
	s6 =	sadd.s32 @!p0 s3, s7;
	s7 =	simm.s32 @!p0 $0x108  }
0x21: {  	s3 =	sadd.s32 s3, s9;
	s6 =	sadd.s32 @!p0 $0x88, s6;
	s7 =	simm.s32 @p2 $0x1082  }
0x22: {  	[simem:s7], [sflag:s8] =	dma.local @!p0 [hbm:s6], $0xF7A  }
0x23: {  	s9 =	sor.u32 $0xD0000000, s2;
	s6 =	simm.s32 $0x108;
	_ =	swait.ge @!p0 [sflag:s8], $0x0  }
0x24: {  	s3 =	sadd.s32 $0x88, s3;
	s6 =	simm.s32 @!p1 $0x1082;
	[sflag:s4] =	ssyncset.s32 $0xFFFFF086  }
0x25: {  	[simem:s6], [sflag:s4] =	dma.local [hbm:s3], $0xF7A  }
0x26: {  	[smem:$0x3F96] =	sst s1;
	(tag) =	ssettag s2;
	_ =	strace s9  }
0x27: {  	s1 =	sld [smem:$0x3FA6]  }
0x28: {  	s2 =	sld [smem:$0x3FA7]  }
0x29: {  	s4 =	sld [smem:$0x3FA9]  }
0x2a: {  	p0 =	seq.s32 s5, $0x0;
	s5 =	sld [smem:$0x3FAA]  }
0x2b: {  	s6 =	sld [smem:$0x3FAB]  }
0x2c: {  	s7 =	sld [smem:$0x3FAC]  }
0x2d: {  	s3 =	simm.s32 $0x108;
	s8 =	sld [smem:$0x3FAD]  }
0x2e: {  	s3 =	simm.s32 @!p0 $0x1082;
	s9 =	sld [smem:$0x3FAE]  }
0x2f: {  	lr =	sadd.s32 s0, s3;
	s0 =	sld [smem:$0x3FA5]  }
0x30: {  	s3 =	sld [smem:$0x3FA8]  }
0x31: {  	[smem:$0x3FB1] =	sst s10  }
0x32: {  	s10 =	sld [smem:$0x3FAF];
	_ =	sdelay $0x3  }
0x33: {  	p0 =	seq.s32 s10, $0x1;
	s10 =	sld [smem:$0x3FB1];
	_ =	sdelay $0x3  }
0x34: {  	[smem:$0x3FB1] =	sst s10  }
0x35: {  	s10 =	sld [smem:$0x3FB0];
	_ =	sdelay $0x3  }
0x36: {  	p1 =	seq.s32 s10, $0x1;
	s10 =	sld [smem:$0x3FB1];
	_ =	sdelay $0x3  }
0x37: {  	[smem:$0x3FB1] =	sst s10  }
0x38: {  	s10 =	sld [smem:$0x3FB2]  }
0x39: {  	_ = 	snop;
	(pc) =	sbr.ind lr, $3  }
0x3a: {  	_ = 	snop  }
0x3b: {  	_ = 	snop  }
0x3c: {  	p2 =	seq.s32 s10, $0x1;
	s10 =	sld [smem:$0x3FB1]  }
0x3d: {  	_ =	shalt  }
0x3e: {  	_ =	shalt  }
0x3f: {  	_ =	shalt  }
0x40: {  	_ =	shalt  }
0x41: {  	_ =	shalt  }
0x42: {  	_ =	shalt  }
0x43: {  	_ =	shalt  }
0x44: {  	_ =	shalt  }
0x45: {  	_ =	shalt  }
0x46: {  	_ =	shalt  }
0x47: {  	_ =	shalt  }
0x48: {  	_ =	shalt  }
0x49: {  	_ =	shalt  }
0x4a: {  	_ =	shalt  }
0x4b: {  	_ =	shalt  }
0x4c: {  	_ =	shalt  }
0x4d: {  	_ =	shalt  }
0x4e: {  	_ =	shalt  }
0x4f: {  	_ =	shalt  }
0x50: {  	_ =	shalt  }
0x51: {  	_ =	shalt  }
0x52: {  	_ =	shalt  }
0x53: {  	_ =	shalt  }
0x54: {  	_ =	shalt  }
0x55: {  	_ =	shalt  }
0x56: {  	_ =	shalt  }
0x57: {  	_ =	shalt  }
0x58: {  	_ =	shalt  }
0x59: {  	_ =	shalt  }
0x5a: {  	_ =	shalt  }
0x5b: {  	_ =	shalt  }
0x5c: {  	_ =	shalt  }
0x5d: {  	_ =	shalt  }
0x5e: {  	_ =	shalt  }
0x5f: {  	_ =	shalt  }
0x60: {  	_ =	shalt  }
0x61: {  	_ =	shalt  }
0x62: {  	_ =	shalt  }
0x63: {  	_ =	shalt  }
0x64: {  	_ =	shalt  }
0x65: {  	_ =	shalt  }
0x66: {  	_ =	shalt  }
0x67: {  	_ =	shalt  }
0x68: {  	_ =	shalt  }
0x69: {  	_ =	shalt  }
0x6a: {  	_ =	shalt  }
0x6b: {  	_ =	shalt  }
0x6c: {  	_ =	shalt  }
0x6d: {  	_ =	shalt  }
0x6e: {  	_ =	shalt  }
0x6f: {  	_ =	shalt  }
0x70: {  	_ =	shalt  }
0x71: {  	_ =	shalt  }
0x72: {  	_ =	shalt  }
0x73: {  	_ =	shalt  }
0x74: {  	_ =	shalt  }
0x75: {  	_ =	shalt  }
0x76: {  	_ =	shalt  }
0x77: {  	_ =	shalt  }
0x78: {  	_ =	shalt  }
0x79: {  	_ =	shalt  }
0x7a: {  	_ =	shalt  }
0x7b: {  	_ =	shalt  }
0x7c: {  	_ =	shalt  }
0x7d: {  	_ =	shalt  }
0x7e: {  	_ =	shalt  }
0x7f: {  	_ =	shalt  }
0x80: {  	_ =	shalt  }
0x81: {  	_ =	shalt  }
0x82: {  	_ =	shalt  }
0x83: {  	_ =	shalt  }
0x84: {  	_ =	shalt  }
0x85: {  	_ =	shalt  }
0x86: {  	_ =	shalt  }
0x87: {  	_ =	shalt  }
.Lfunc_end0:
.L_simem_size_0:
called_computation_lowered:
.L_overlay_start_0:
0x88: {  	s2 =	sld [smem:$0x3FD9]  }
0x89: {  	s3 =	sld [smem:$0x3FFE];
	_ =	sdelay $0x1  }
0x8a: {  	s1 =	srdreg.scid  }
0x8b: {  	s0 =	sand.u32 $0x1, s1  }
0x8c: {  	s16 =	sshll.u32 s0, $0xA;
	s2 =	sadd.s32 s3, s2  }
0x8d: {  	s2 =	sadd.s32 s2, s16  }
0x8e: {  	[smem:$0x3FBD] =	sst s2  }
0x8f: {  	_ = 	snop  }
0x90: {  	(tm) =	ssettm $0x1  }
0x91: {  	s17 =	sld [smem:$0x3FFB];
	_ =	sdelay $0x3  }
0x92: {  	_ =	strace s17  }
0x93: {  	s2 =	sld [smem:$0x3FFC];
	_ =	sdelay $0x3  }
0x94: {  	_ =	strace s2  }
0x95: {  	s2 =	sld [smem:$0x3FFD];
	_ =	sdelay $0x3  }
0x96: {  	_ =	strace s2  }
0x97: {  	_ =	strace $0x8FFFFFFF  }
0x98: {  	s18 =	sld [smem:$0x3FDB];
	_ =	sdelay $0x1  }
0x99: {  	s19 =	simm.s32 $_scs_section_size  }
0x9a: {  	s4 =	simm.s32 $_size__tile_overlayer_lowered;
	s5 =	simm.s32 $_tile_overlayer_lowered  }
0x9b: {  	s22 =	simm.s32 $0x1BFF;
	s21 =	sshll.u32 s5, $0x1;
	s2 =	sadd.s32 s19, s18  }
0x9c: {  	s6 =	simm.s32 $0x0;
	s20 =	sshll.u32 s4, $0x1;
	s4 =	sadd.s32 s21, s2  }
0x9d: {  	[timem:s6], [sflag:s22] =	dma.local [hbm:s4], s20  }
0x9e: {  	_ =	swait.ge [sflag:s22], s20  }
0x9f: {  	s3 =	ssub.s32 $0x0, s20;
	[sflag:s22] =	ssyncset.done $0x0  }
0xa0: {  	[sflag:s22] =	ssyncadd.s32 s3;
	_ =	sdelay $0x1  }
0xa1: {  	s23 =	simm.s32 $0x1B8B  }
0xa2: {  	_ =	swait.ge [sflag:s23], $0x1  }
0xa3: {  	[sflag:s23] =	ssyncset.done $0x0  }
0xa4: {  	s25 =	simm.s32 $0x1B8E;
	s24 =	sld [smem:$0x3FFE];
	[sflag:s23] =	ssyncadd.s32 $0xFFFFFFFF  }
0xa5: {  	s26 =	simm.s32 $execute0_lowered;
	[smem:$0x3FD2] =	sst s25  }
0xa6: {  	s4 =	sshll.u32 s26, $0x1;
	_ =	strace $0x80000046;
	[dreg:$0x1] =	wrdreg $0xFFFFFFFF  }
0xa7: {  	s28 =	simm.s32 $_size_execute0_lowered;
	s2 =	sadd.s32 s2, s4;
	[dreg:$0x0] =	wrdreg $0x0  }
0xa8: {  	s4 =	sshll.u32 s28, $0x1;
	[dreg:$0x2] =	wrdreg s2  }
0xa9: {  	[dreg:$0x3] =	wrdreg s4  }
0xaa: {  	[dreg:$0x4] =	wrdreg $0xC0  }
0xab: {  	_ =	task [dreg:s6], $0x5FFFF  }
0xac: {  	[dreg:$0x1] =	wrdreg $0xFFFFFFFF  }
0xad: {  	[dreg:$0x0] =	wrdreg $0x60  }
0xae: {  	[dreg:$0x2] =	wrdreg s24  }
0xaf: {  	[dreg:$0x3] =	wrdreg $0x0  }
0xb0: {  	[dreg:$0x4] =	wrdreg $0x9  }
0xb1: {  	_ =	task.clear_ibuf [dreg:s6], $0x5FFFF;
	_ =	strace $0x90000046  }
0xb2: {  	s29 =	simm.s32 $0x9;
	_ =	strace $0x80000048  }
0xb3: {  	_ =	swait.ge [sflag:s29], $0x1  }
0xb4: {  	[sflag:s29] =	ssyncadd.s32 $0xFFFFFFFF  }
0xb5: {  	_ =	strace $0x90000048  }
0xb6: {  	_ =	sfence  }
0xb7: {  	s30 =	sld [smem:$0x0];
	_ =	sdelay $0x2  }
0xb8: {  	s31 =	sshll.u32 s1, $0xD;
	s1 =	sshrl.u32 s1, $0x2  }
0xb9: {  	s3 =	sand.u32 $0x4000, s31;
	s1 =	sadd.s32 s1, s30  }
0xba: {  	s0 =	sor.u32 s3, s0;
	s1 =	sshll.u32 s1, $0x11  }
0xbb: {  	s0 =	sor.u32 s1, s0  }
0xbc: {  	s0 =	sadd.s32 $0x8F2B, s0  }
0xbd: {  	[sflag:s0] =	ssyncadd.remote.s32 $0x1  }
0xbe: {  	_ =	sfence.sel $0xFFFF  }
0xbf: {  	[dreg:$0x0] =	wrdreg $0xFFFFFFFF;
	(pc) =	sbr.abs _section_cstart, $3  }
0xc0: {  	[dreg:$0x1] =	wrdreg $0xFFFFFFFF  }
0xc1: {  	_ =	task.clear_ibuf [dreg:s6], $0x2FFFF;
	_ =	strace $0x9FFFFFFF  }
0xc2: {  	(tm) =	ssettm $0x7FFFFFFF  }
0xc3: {  	_ =	shalt  }
tec
execute0_lowered:
.L_overlay_start_1:
0x0: {  	(tag) =	ssettag $0x1  }
0x1: {  	s7 =	rddreg [dreg:$0x0]  }
0x2: {  	s1 =	rddreg [dreg:$0x1]  }
0x3: {  	s2 =	srdreg.scid;
	s0 =	rddreg [dreg:$0x2]  }
0x4: {  	s4 =	simm.s32 $0x0;
	s11 =	stileid.u32;
	s14 =	simm.s32 $0x61A8  }
0x5: {  	p3 =	por $0x0, $0x0;
	s8 =	sand.u32 $0x1, s2;
	[smem:$0x7FF] =	sst s4  }
0x6: {  	s6 =	sadd.s32 $0x34600, s7;
	s5 =	sadd.s32 $0x36000, s7;
	s9 =	ssub.s32 $0x2, s8  }
0x7: {  	s3 =	sadd.s32 $0x36E00, s7;
	p0 =	seq.s32 s11, $0x0;
	s10 =	sshrl.u32 s9, $0x1  }
0x8: {  	s2 =	sshll.u32 s8, $0x4;
	_ =	strace $0x80000047;
	s9 =	ssub.s32 s9, s10  }
0x9: {  	p1 =	seq.s32 s8, $0x1;
	s8 =	sor.u32 s8, s11;
	s13 =	smax.u32 s9, $0x1  }
0xa: {  	s2 =	sor.u32 s11, s2;
	p1 =	por !p0, !p1;
	s20 =	sadd.s32 $0xFFFFFFFF, s13  }
0xb: {  	p0 =	sne.s32 s11, $0x0;
	s2 =	smul.u32 $0x61A8, s2;
	p4 =	sne.s32 s20, $0x0  }
.Ltmp0:
0xc: {  	p2 =	sne.s32 s8, $0x0;
	p1 =	por !p1, !p1;
	(pc) =	sbr.rel @!p4 .LBB2_3-.Ltmp0, $4  }
0xd: {  	s15 =	sshrl.u32 @!p0 s1, $0x3;
	s10 =	simm.s32 $0x6DE8;
	s8 =	sshll.u32 @!p2 s11, $0x6  }
0xe: {  	s9 =	simm.s32 $0x1;
	s11 =	sor.u32 @!p2 $0x1C01, s8;
	s12 =	sshrl.u32 s2, $0x3  }
0xf: {  	s8 =	sshrl.u32 @p1 s1, $0x3;
	s2 =	sadd.s32 $0x38800, s7;
	s7 =	sadd.s32 s7, s12  }
0x10: {  	s13 =	sshrl.u32 @!p2 s1, $0x3;
	s12 =	simm.s32 $0xC40;
	s7 =	sadd.s32 $0x1BEA0, s7  }
0x11: {  	s16 =	simm.s32 @!p0 $0x1C01;
	s17 =	simm.s32 @!p0 $0x1  }
0x12: {  	[spmem:s15], [sflag:s16] =	dma.local @!p0 [hbm:s6], $0x1880  }
0x13: {  	_ =	swait.ge @!p0 [sflag:s17], $0x1880  }
0x14: {  	[sflag:s17] =	ssyncset.done @!p0 $0x0  }
0x15: {  	[sflag:s17] =	ssyncadd.s32 @!p0 $0xFFFFE780  }
0x16: {  	[tilespmem:s10], [sflag:$0x1] =	stream.linear.gather [hbm4b:s5+s4], $0x61A8, $0x38;
	[tilespmem:$0xCF90] =	vst v63  }
0x17: {  	_ =	swait.ge [sflag:s9], $0x61A8  }
0x18: {  	[sflag:s9] =	ssyncset.done $0x0  }
0x19: {  	[sflag:s9] =	ssyncadd.s32 $0xFFFF9E58  }
0x1a: {  	[tilespmem:s12], [sflag:$0x1] =	stream.linear.gather [hbm4b:s7+s4], $0x61A8, $0x38;
	[tilespmem:$0xCF90] =	vst v63  }
0x1b: {  	_ =	swait.ge [sflag:s9], $0x61A8  }
0x1c: {  	[sflag:s9] =	ssyncset.done $0x0  }
0x1d: {  	[sflag:s9] =	ssyncadd.s32 $0xFFFF9E58  }
0x1e: {  	[bflag:$0x0] =	sbarrier.arrive $0xFFFF  }
0x1f: {  	[spmem:s1] =	stream.indirect.scatter.add.f32 [tilespmem:s10], [sflag:$0x1], $0x1, s12, s14, $0xb8;
	[tilespmem:$0xCF90] =	vst v63  }
0x20: {  	_ =	swait.ge [sflag:s9], $0x61A8  }
0x21: {  	[sflag:s9] =	ssyncset.done $0x0  }
0x22: {  	[sflag:s9] =	ssyncadd.s32 $0xFFFF9E58  }
0x23: {  	s19 =	simm.s32 @!p2 $0x1;
	s20 =	sadd.s32 $0xFFFFFFFF, s20;
	[bflag:$0x0] =	sbarrier.arrive $0xFFFF  }
0x24: {  	[hbm:s3], [sflag:s11] =	dma.local @!p2 [spmem:s13], $0x1880  }
0x25: {  	p4 =	sne.s32 s20, $0x0;
	_ =	swait.ge @!p2 [sflag:s19], $0x1880  }
.Ltmp1:
0x26: {  	[sflag:s19] =	ssyncset.done @!p2 $0x0;
	(pc) =	sbr.rel @!p4 .LBB2_3-.Ltmp1, $4  }
0x27: {  	s21 =	simm.s32 @p1 $0x1C01;
	s18 =	simm.s32 @p1 $0x1;
	[sflag:s19] =	ssyncadd.s32 @!p2 $0xFFFFE780  }
0x28: {  	[hbm:s2], [sflag:s21] =	dma.local @p1 [spmem:s8], $0x1880  }
0x29: {  	_ =	swait.ge @p1 [sflag:s18], $0x1880  }
0x2a: {  	p3 =	por $0x1, $0x1;
	[sflag:s18] =	ssyncset.done @p1 $0x0  }
.LBB2_2:
0x2b: {  	[sflag:s18] =	ssyncadd.s32 @p1 $0xFFFFE780  }
0x2c: {  	[spmem:s15], [sflag:s16] =	dma.local @!p0 [hbm:s6], $0x1880  }
0x2d: {  	s20 =	sadd.s32 $0xFFFFFFFF, s20;
	_ =	swait.ge @!p0 [sflag:s17], $0x1880  }
0x2e: {  	p4 =	sne.s32 s20, $0x0;
	[sflag:s17] =	ssyncset.done @!p0 $0x0  }
0x2f: {  	[sflag:s17] =	ssyncadd.s32 @!p0 $0xFFFFE780  }
0x30: {  	[tilespmem:s10], [sflag:$0x1] =	stream.linear.gather [hbm4b:s5+s4], $0x61A8, $0x38;
	[tilespmem:$0xCF90] =	vst v63  }
0x31: {  	_ =	swait.ge [sflag:s9], $0x61A8  }
0x32: {  	[sflag:s9] =	ssyncset.done $0x0  }
0x33: {  	[sflag:s9] =	ssyncadd.s32 $0xFFFF9E58  }
0x34: {  	[tilespmem:s12], [sflag:$0x1] =	stream.linear.gather [hbm4b:s7+s4], $0x61A8, $0x38;
	[tilespmem:$0xCF90] =	vst v63  }
0x35: {  	_ =	swait.ge [sflag:s9], $0x61A8  }
0x36: {  	[sflag:s9] =	ssyncset.done $0x0  }
0x37: {  	[sflag:s9] =	ssyncadd.s32 $0xFFFF9E58  }
0x38: {  	[bflag:$0x0] =	sbarrier.arrive $0xFFFF  }
0x39: {  	[spmem:s1] =	stream.indirect.scatter.add.f32 [tilespmem:s10], [sflag:$0x1], $0x1, s12, s14, $0xb8;
	[tilespmem:$0xCF90] =	vst v63  }
0x3a: {  	_ =	swait.ge [sflag:s9], $0x61A8  }
0x3b: {  	[sflag:s9] =	ssyncset.done $0x0  }
0x3c: {  	[sflag:s9] =	ssyncadd.s32 $0xFFFF9E58  }
0x3d: {  	[bflag:$0x0] =	sbarrier.arrive $0xFFFF  }
0x3e: {  	[hbm:s3], [sflag:s11] =	dma.local @!p2 [spmem:s13], $0x1880  }
0x3f: {  	_ =	swait.ge @!p2 [sflag:s19], $0x1880  }
.Ltmp2:
0x40: {  	[sflag:s19] =	ssyncset.done @!p2 $0x0;
	(pc) =	sbr.rel @p4 .LBB2_2-.Ltmp2, $4  }
0x41: {  	[sflag:s19] =	ssyncadd.s32 @!p2 $0xFFFFE780  }
0x42: {  	[hbm:s2], [sflag:s21] =	dma.local @p1 [spmem:s8], $0x1880  }
0x43: {  	_ =	swait.ge @p1 [sflag:s18], $0x1880  }
0x44: {  	[sflag:s18] =	ssyncset.done @p1 $0x0  }
.LBB2_3:
0x45: {  	p3 =	por !p1, !p3  }
0x46: {  	s16 =	simm.s32 @!p0 $0x1C01;
	s17 =	simm.s32 @!p0 $0x1;
	[sflag:s18] =	ssyncadd.s32 @!p3 $0xFFFFE780  }
0x47: {  	[spmem:s15], [sflag:s16] =	dma.local @!p0 [hbm:s6], $0x1880  }
0x48: {  	_ =	swait.ge @!p0 [sflag:s17], $0x1880  }
0x49: {  	[sflag:s17] =	ssyncset.done @!p0 $0x0  }
0x4a: {  	[sflag:s17] =	ssyncadd.s32 @!p0 $0xFFFFE780  }
0x4b: {  	[tilespmem:s10], [sflag:$0x1] =	stream.linear.gather [hbm4b:s5+s4], $0x61A8, $0x38;
	[tilespmem:$0xCF90] =	vst v63  }
0x4c: {  	_ =	swait.ge [sflag:s9], $0x61A8  }
0x4d: {  	[sflag:s9] =	ssyncset.done $0x0  }
0x4e: {  	[sflag:s9] =	ssyncadd.s32 $0xFFFF9E58  }
0x4f: {  	[tilespmem:s12], [sflag:$0x1] =	stream.linear.gather [hbm4b:s7+s4], $0x61A8, $0x38;
	[tilespmem:$0xCF90] =	vst v63  }
0x50: {  	_ =	swait.ge [sflag:s9], $0x61A8  }
0x51: {  	[sflag:s9] =	ssyncset.done $0x0  }
0x52: {  	[sflag:s9] =	ssyncadd.s32 $0xFFFF9E58  }
0x53: {  	[bflag:$0x0] =	sbarrier.arrive $0xFFFF  }
0x54: {  	[spmem:s1] =	stream.indirect.scatter.add.f32 [tilespmem:s10], [sflag:$0x1], $0x1, s12, s14, $0xb8;
	[tilespmem:$0xCF90] =	vst v63  }
0x55: {  	_ =	swait.ge [sflag:s9], $0x61A8  }
0x56: {  	[sflag:s9] =	ssyncset.done $0x0  }
0x57: {  	[sflag:s9] =	ssyncadd.s32 $0xFFFF9E58  }
0x58: {  	s1 =	simm.s32 @!p2 $0x1;
	[bflag:$0x0] =	sbarrier.arrive $0xFFFF  }
0x59: {  	[hbm:s3], [sflag:s11] =	dma.local @!p2 [spmem:s13], $0x1880  }
0x5a: {  	_ =	swait.ge @!p2 [sflag:s1], $0x1880  }
0x5b: {  	[sflag:s1] =	ssyncset.done @!p2 $0x0  }
0x5c: {  	s3 =	simm.s32 @p1 $0x1;
	[sflag:s1] =	ssyncadd.s32 @!p2 $0xFFFFE780;
	s1 =	simm.s32 @p1 $0x1C01  }
0x5d: {  	[hbm:s2], [sflag:s1] =	dma.local @p1 [spmem:s8], $0x1880  }
0x5e: {  	_ =	swait.ge @p1 [sflag:s3], $0x1880  }
0x5f: {  	[sflag:s3] =	ssyncset.done @p1 $0x0  }
0x60: {  	[sflag:s3] =	ssyncadd.s32 @p1 $0xFFFFE780  }
0x61: {  	_ =	sfence.sel $0x180000  }
0x62: {  	[bflag:$0x0] =	sbarrier.arrive $0xFFFF  }
0x63: {  	_ =	strace $0x90000047  }
0x64: {  	s0 =	sadd.s32 @!p0 $0x100000, s0;
	[bflag:$0x2] =	sbarrier.arrive $0xFFFF  }
0x65: {  	[sflag:s0] =	ssyncadd.tile.s32 @!p0 $0x1;
	_ =	shalt  }
.Lfunc_end2:
_tile_overlayer_lowered:
.L_overlay_start_2:
0x66: {  	(tag) =	ssettag $0x2  }
0x67: {  	s0 =	rddreg [dreg:$0x0];
	s2 =	stileid.u32  }
0x68: {  	s1 =	rddreg [dreg:$0x1];
	p0 =	sne.s32 s2, $0x0  }
0x69: {  	s3 =	rddreg [dreg:$0x2];
	[bflag:$0x3] =	sbarrier.arrive $0xFFFF;
	s2 =	simm.s32 @!p0 $0x1C01  }
0x6a: {  	[timem:s3], [sflag:s2] =	dma.local @!p0 [hbm:s0], s1  }
0x6b: {  	s0 =	simm.s32 @!p0 $0x1  }
0x6c: {  	_ =	swait.ge @!p0 [sflag:s0], s1  }
0x6d: {  	s1 =	ssub.s32 @!p0 $0x0, s1;
	[sflag:s0] =	ssyncset.done @!p0 $0x0  }
0x6e: {  	[sflag:s0] =	ssyncadd.s32 @!p0 s1  }
0x6f: {  	[bflag:$0x3] =	sbarrier.arrive $0xFFFF  }
0x70: {  	_ =	shalt  }

// kernel: kernel.9.cloned.1.call-start
scs
__scs_entry_jumppad:
0x0: {  	(pc) =	sbr.rel $0x88, $3  }
0x1: {  	(tag) =	ssettag $0x0;
	lr =	simm.s32 $0x1  }
0x2: {  	[smem:$0x3F96] =	sst lr;
	_ =	strace $0xD0000000  }
0x3: {  	_ = 	snop  }
0x4: {  	_ = 	snop  }
0x5: {  	_ = 	snop  }
0x6: {  	_ = 	snop  }
0x7: {  	_ = 	snop  }
__scs_overlays_trampoline_lowered:
0x8: {  	[smem:$0x3FA5] =	sst s0  }
0x9: {  	[smem:$0x3FA6] =	sst s1  }
0xa: {  	[smem:$0x3FA7] =	sst s2  }
0xb: {  	[smem:$0x3FA8] =	sst s3  }
0xc: {  	[smem:$0x3FA9] =	sst s4  }
0xd: {  	[smem:$0x3FAA] =	sst s5  }
0xe: {  	[smem:$0x3FAB] =	sst s6  }
0xf: {  	[smem:$0x3FAC] =	sst s7  }
0x10: {  	[smem:$0x3FAD] =	sst s8  }
0x11: {  	[smem:$0x3FAE] =	sst s9;
	s0 =	simm.s32 @!p0 $0x0  }
0x12: {  	s1 =	sld [smem:$0x3F94];
	s0 =	simm.s32 @p0 $0x1  }
0x13: {  	[smem:$0x3FAF] =	sst s0;
	s0 =	simm.s32 @!p1 $0x0  }
0x14: {  	s2 =	sld [smem:$0x3F93];
	s0 =	simm.s32 @p1 $0x1  }
0x15: {  	[smem:$0x3FB0] =	sst s0;
	s0 =	simm.s32 @!p2 $0x0  }
0x16: {  	s3 =	sld [smem:$0x3FDB];
	s0 =	simm.s32 @p2 $0x1  }
0x17: {  	s4 =	simm.s32 $0x1BF5;
	[smem:$0x3FB2] =	sst s0  }
0x18: {  	s0 =	sld [smem:$0x3F95];
	_ =	swait.ge [sflag:s4], $0x0  }
0x19: {  	s7 =	sld [smem:$0x3F96]  }
0x1a: {  	s8 =	sadd.s32 $0xFFFFE003, lr  }
0x1b: {  	s9 =	sadd.s32 $0xFFFFFEF7, lr;
	s5 =	simm.s32 $0xFFFFFFFF;
	p2 =	slt.u32 s8, $0xFFFFF086  }
0x1c: {  	p1 =	slt.u32 s9, $0xF7A;
	s5 =	simm.s32 @!p2 $0x0  }
0x1d: {  	s5 =	simm.s32 @p1 $0x1;
	p0 =	seq.s32 s7, s2  }
0x1e: {  	s7 =	smul.u32 @!p0 $0xF7A, s2;
	p2 =	seq.s32 @!p0 s5, $0x0  }
0x1f: {  	s9 =	smul.u32 $0xF7A, s1;
	s8 =	simm.s32 @!p0 $0x1BF5;
	p2 =	por !p2, p0  }
0x20: {  	[sflag:s8] =	ssyncset.s32 @!p0 $0xFFFFF086;
	s6 =	sadd.s32 @!p0 s3, s7;
	s7 =	simm.s32 @!p0 $0x108  }
0x21: {  	s3 =	sadd.s32 s3, s9;
	s6 =	sadd.s32 @!p0 $0x88, s6;
	s7 =	simm.s32 @p2 $0x1082  }
0x22: {  	[simem:s7], [sflag:s8] =	dma.local @!p0 [hbm:s6], $0xF7A  }
0x23: {  	s9 =	sor.u32 $0xD0000000, s2;
	s6 =	simm.s32 $0x108;
	_ =	swait.ge @!p0 [sflag:s8], $0x0  }
0x24: {  	s3 =	sadd.s32 $0x88, s3;
	s6 =	simm.s32 @!p1 $0x1082;
	[sflag:s4] =	ssyncset.s32 $0xFFFFF086  }
0x25: {  	[simem:s6], [sflag:s4] =	dma.local [hbm:s3], $0xF7A  }
0x26: {  	[smem:$0x3F96] =	sst s1;
	(tag) =	ssettag s2;
	_ =	strace s9  }
0x27: {  	s1 =	sld [smem:$0x3FA6]  }
0x28: {  	s2 =	sld [smem:$0x3FA7]  }
0x29: {  	s4 =	sld [smem:$0x3FA9]  }
0x2a: {  	p0 =	seq.s32 s5, $0x0;
	s5 =	sld [smem:$0x3FAA]  }
0x2b: {  	s6 =	sld [smem:$0x3FAB]  }
0x2c: {  	s7 =	sld [smem:$0x3FAC]  }
0x2d: {  	s3 =	simm.s32 $0x108;
	s8 =	sld [smem:$0x3FAD]  }
0x2e: {  	s3 =	simm.s32 @!p0 $0x1082;
	s9 =	sld [smem:$0x3FAE]  }
0x2f: {  	lr =	sadd.s32 s0, s3;
	s0 =	sld [smem:$0x3FA5]  }
0x30: {  	s3 =	sld [smem:$0x3FA8]  }
0x31: {  	[smem:$0x3FB1] =	sst s10  }
0x32: {  	s10 =	sld [smem:$0x3FAF];
	_ =	sdelay $0x3  }
0x33: {  	p0 =	seq.s32 s10, $0x1;
	s10 =	sld [smem:$0x3FB1];
	_ =	sdelay $0x3  }
0x34: {  	[smem:$0x3FB1] =	sst s10  }
0x35: {  	s10 =	sld [smem:$0x3FB0];
	_ =	sdelay $0x3  }
0x36: {  	p1 =	seq.s32 s10, $0x1;
	s10 =	sld [smem:$0x3FB1];
	_ =	sdelay $0x3  }
0x37: {  	[smem:$0x3FB1] =	sst s10  }
0x38: {  	s10 =	sld [smem:$0x3FB2]  }
0x39: {  	_ = 	snop;
	(pc) =	sbr.ind lr, $3  }
0x3a: {  	_ = 	snop  }
0x3b: {  	_ = 	snop  }
0x3c: {  	p2 =	seq.s32 s10, $0x1;
	s10 =	sld [smem:$0x3FB1]  }
0x3d: {  	_ =	shalt  }
0x3e: {  	_ =	shalt  }
0x3f: {  	_ =	shalt  }
0x40: {  	_ =	shalt  }
0x41: {  	_ =	shalt  }
0x42: {  	_ =	shalt  }
0x43: {  	_ =	shalt  }
0x44: {  	_ =	shalt  }
0x45: {  	_ =	shalt  }
0x46: {  	_ =	shalt  }
0x47: {  	_ =	shalt  }
0x48: {  	_ =	shalt  }
0x49: {  	_ =	shalt  }
0x4a: {  	_ =	shalt  }
0x4b: {  	_ =	shalt  }
0x4c: {  	_ =	shalt  }
0x4d: {  	_ =	shalt  }
0x4e: {  	_ =	shalt  }
0x4f: {  	_ =	shalt  }
0x50: {  	_ =	shalt  }
0x51: {  	_ =	shalt  }
0x52: {  	_ =	shalt  }
0x53: {  	_ =	shalt  }
0x54: {  	_ =	shalt  }
0x55: {  	_ =	shalt  }
0x56: {  	_ =	shalt  }
0x57: {  	_ =	shalt  }
0x58: {  	_ =	shalt  }
0x59: {  	_ =	shalt  }
0x5a: {  	_ =	shalt  }
0x5b: {  	_ =	shalt  }
0x5c: {  	_ =	shalt  }
0x5d: {  	_ =	shalt  }
0x5e: {  	_ =	shalt  }
0x5f: {  	_ =	shalt  }
0x60: {  	_ =	shalt  }
0x61: {  	_ =	shalt  }
0x62: {  	_ =	shalt  }
0x63: {  	_ =	shalt  }
0x64: {  	_ =	shalt  }
0x65: {  	_ =	shalt  }
0x66: {  	_ =	shalt  }
0x67: {  	_ =	shalt  }
0x68: {  	_ =	shalt  }
0x69: {  	_ =	shalt  }
0x6a: {  	_ =	shalt  }
0x6b: {  	_ =	shalt  }
0x6c: {  	_ =	shalt  }
0x6d: {  	_ =	shalt  }
0x6e: {  	_ =	shalt  }
0x6f: {  	_ =	shalt  }
0x70: {  	_ =	shalt  }
0x71: {  	_ =	shalt  }
0x72: {  	_ =	shalt  }
0x73: {  	_ =	shalt  }
0x74: {  	_ =	shalt  }
0x75: {  	_ =	shalt  }
0x76: {  	_ =	shalt  }
0x77: {  	_ =	shalt  }
0x78: {  	_ =	shalt  }
0x79: {  	_ =	shalt  }
0x7a: {  	_ =	shalt  }
0x7b: {  	_ =	shalt  }
0x7c: {  	_ =	shalt  }
0x7d: {  	_ =	shalt  }
0x7e: {  	_ =	shalt  }
0x7f: {  	_ =	shalt  }
0x80: {  	_ =	shalt  }
0x81: {  	_ =	shalt  }
0x82: {  	_ =	shalt  }
0x83: {  	_ =	shalt  }
0x84: {  	_ =	shalt  }
0x85: {  	_ =	shalt  }
0x86: {  	_ =	shalt  }
0x87: {  	_ =	shalt  }
.Lfunc_end0:
.L_simem_size_0:
called_computation.1_lowered:
.L_overlay_start_0:
0x88: {  	s2 =	sld [smem:$0x3FD9]  }
0x89: {  	s3 =	sld [smem:$0x3FFE];
	_ =	sdelay $0x1  }
0x8a: {  	s1 =	srdreg.scid  }
0x8b: {  	s0 =	sand.u32 $0x1, s1  }
0x8c: {  	s16 =	sshll.u32 s0, $0xA;
	s2 =	sadd.s32 s3, s2  }
0x8d: {  	s2 =	sadd.s32 s2, s16  }
0x8e: {  	[smem:$0x3FBD] =	sst s2  }
0x8f: {  	_ = 	snop  }
0x90: {  	(tm) =	ssettm $0x1  }
0x91: {  	s17 =	sld [smem:$0x3FFB];
	_ =	sdelay $0x3  }
0x92: {  	_ =	strace s17  }
0x93: {  	s2 =	sld [smem:$0x3FFC];
	_ =	sdelay $0x3  }
0x94: {  	_ =	strace s2  }
0x95: {  	s2 =	sld [smem:$0x3FFD];
	_ =	sdelay $0x3  }
0x96: {  	_ =	strace s2  }
0x97: {  	_ =	strace $0x8FFFFFFF  }
0x98: {  	s18 =	sld [smem:$0x3FDB];
	_ =	sdelay $0x1  }
0x99: {  	s19 =	simm.s32 $_scs_section_size  }
0x9a: {  	s4 =	simm.s32 $_size__tile_overlayer_lowered;
	s5 =	simm.s32 $_tile_overlayer_lowered  }
0x9b: {  	s22 =	simm.s32 $0x1BFF;
	s21 =	sshll.u32 s5, $0x1;
	s2 =	sadd.s32 s19, s18  }
0x9c: {  	s6 =	simm.s32 $0x0;
	s20 =	sshll.u32 s4, $0x1;
	s4 =	sadd.s32 s21, s2  }
0x9d: {  	[timem:s6], [sflag:s22] =	dma.local [hbm:s4], s20  }
0x9e: {  	_ =	swait.ge [sflag:s22], s20  }
0x9f: {  	s3 =	ssub.s32 $0x0, s20;
	[sflag:s22] =	ssyncset.done $0x0  }
0xa0: {  	[sflag:s22] =	ssyncadd.s32 s3;
	_ =	sdelay $0x1  }
0xa1: {  	s23 =	simm.s32 $0x1B8B  }
0xa2: {  	_ =	swait.ge [sflag:s23], $0x1  }
0xa3: {  	[sflag:s23] =	ssyncset.done $0x0  }
0xa4: {  	s25 =	simm.s32 $0x1B8E;
	s24 =	sld [smem:$0x3FFE];
	[sflag:s23] =	ssyncadd.s32 $0xFFFFFFFF  }
0xa5: {  	s26 =	simm.s32 $execute0_lowered;
	[smem:$0x3FD2] =	sst s25  }
0xa6: {  	s4 =	sshll.u32 s26, $0x1;
	_ =	strace $0x80000049;
	[dreg:$0x1] =	wrdreg $0xFFFFFFFF  }
0xa7: {  	s28 =	simm.s32 $_size_execute0_lowered;
	s2 =	sadd.s32 s2, s4;
	[dreg:$0x0] =	wrdreg $0x0  }
0xa8: {  	s4 =	sshll.u32 s28, $0x1;
	[dreg:$0x2] =	wrdreg s2  }
0xa9: {  	[dreg:$0x3] =	wrdreg s4  }
0xaa: {  	[dreg:$0x4] =	wrdreg $0xC0  }
0xab: {  	_ =	task [dreg:s6], $0x5FFFF  }
0xac: {  	[dreg:$0x1] =	wrdreg $0xFFFFFFFF  }
0xad: {  	[dreg:$0x0] =	wrdreg $0x60  }
0xae: {  	[dreg:$0x2] =	wrdreg s24  }
0xaf: {  	[dreg:$0x3] =	wrdreg $0x18800  }
0xb0: {  	[dreg:$0x4] =	wrdreg $0x24C00  }
0xb1: {  	[dreg:$0x5] =	wrdreg $0x0  }
0xb2: {  	[dreg:$0x6] =	wrdreg $0xC400  }
0xb3: {  	[dreg:$0x7] =	wrdreg $0x9  }
0xb4: {  	_ =	task.clear_ibuf [dreg:s6], $0x8FFFF;
	_ =	strace $0x90000049  }
0xb5: {  	s29 =	simm.s32 $0x9;
	_ =	strace $0x8000004B  }
0xb6: {  	_ =	swait.ge [sflag:s29], $0x1  }
0xb7: {  	[sflag:s29] =	ssyncadd.s32 $0xFFFFFFFF  }
0xb8: {  	_ =	strace $0x9000004B  }
0xb9: {  	_ =	sfence  }
0xba: {  	s30 =	sld [smem:$0x0];
	_ =	sdelay $0x2  }
0xbb: {  	s31 =	sshll.u32 s1, $0xD;
	s1 =	sshrl.u32 s1, $0x2  }
0xbc: {  	s3 =	sand.u32 $0x4000, s31;
	s1 =	sadd.s32 s1, s30  }
0xbd: {  	s0 =	sor.u32 s3, s0;
	s1 =	sshll.u32 s1, $0x11  }
0xbe: {  	s0 =	sor.u32 s1, s0  }
0xbf: {  	s0 =	sadd.s32 $0x8F2B, s0  }
0xc0: {  	[sflag:s0] =	ssyncadd.remote.s32 $0x1  }
0xc1: {  	_ =	sfence.sel $0xFFFF  }
0xc2: {  	[dreg:$0x0] =	wrdreg $0xFFFFFFFF;
	(pc) =	sbr.abs _section_cstart, $3  }
0xc3: {  	[dreg:$0x1] =	wrdreg $0xFFFFFFFF  }
0xc4: {  	_ =	task.clear_ibuf [dreg:s6], $0x2FFFF;
	_ =	strace $0x9FFFFFFF  }
0xc5: {  	(tm) =	ssettm $0x7FFFFFFF  }
tec
execute0_lowered:
.L_overlay_start_1:
0x0: {  	(tag) =	ssettag $0x1  }
0x1: {  	s0 =	rddreg [dreg:$0x0]  }
0x2: {  	s2 =	rddreg [dreg:$0x1]  }
0x3: {  	s1 =	rddreg [dreg:$0x2]  }
0x4: {  	s4 =	srdreg.scid;
	s3 =	rddreg [dreg:$0x3]  }
0x5: {  	s7 =	stileid.u32;
	s25 =	rddreg [dreg:$0x5];
	s5 =	simm.s32 $0x0  }
0x6: {  	s19 =	simm.s32 $0x3100;
	s18 =	simm.s32 $0x1;
	s11 =	simm.s32 $0x61A8  }
0x7: {  	s20 =	simm.s32 $0xF450;
	s15 =	simm.s32 $0x155F8;
	s12 =	simm.s32 $0x3  }
0x8: {  	p3 =	por $0x0, $0x0;
	s6 =	sand.u32 $0x1, s4;
	s4 =	rddreg [dreg:$0x4]  }
0x9: {  	[smem:$0x7FF] =	sst s5;
	s9 =	sadd.s32 $0x36000, s0;
	s21 =	sadd.s32 $0x37A00, s0  }
0xa: {  	s22 =	sadd.s32 $0x39400, s0;
	_ =	strace $0x8000004A;
	[dreg:$0x6] =	wrdreg s9  }
0xb: {  	s17 =	sadd.s32 $0x34600, s0;
	s8 =	sshll.u32 s6, $0x4;
	[dreg:$0x7] =	wrdreg s21  }
0xc: {  	s23 =	sadd.s32 $0x3AE00, s0;
	[dreg:$0x8] =	wrdreg s22;
	s8 =	sor.u32 s7, s8  }
0xd: {  	s24 =	sadd.s32 $0x3C800, s0;
	[dreg:$0x9] =	wrdreg s23;
	s8 =	smul.u32 $0x61A8, s8  }
0xe: {  	p0 =	seq.s32 s7, $0x0;
	s10 =	ssub.s32 $0x2, s6;
	[dreg:$0xa] =	wrdreg s24  }
0xf: {  	p1 =	seq.s32 s6, $0x1;
	s26 =	sshrl.u32 s10, $0x1;
	s8 =	sshrl.u32 s8, $0x3  }
0x10: {  	s28 =	ssub.s32 s10, s26;
	s8 =	sadd.s32 s8, s0;
	s0 =	sadd.s32 $0x3E200, s0  }
0x11: {  	s6 =	sor.u32 s6, s7;
	[dreg:$0xb] =	wrdreg s0;
	s0 =	smax.u32 s28, $0x1  }
0x12: {  	s9 =	simm.s32 $0x92A8;
	p0 =	por !p0, !p1;
	s0 =	sadd.s32 $0xFFFFFFFF, s0  }
0x13: {  	p2 =	sne.s32 s6, $0x0;
	p1 =	por !p0, !p0;
	p4 =	sne.s32 s0, $0x0  }
.Ltmp0:
0x14: {  	p0 =	sne.s32 s7, $0x0;
	s10 =	simm.s32 $0x2;
	(pc) =	sbr.rel @!p4 .LBB2_5-.Ltmp0, $4  }
0x15: {  	s29 =	sshll.u32 @!p2 s7, $0x6;
	s14 =	sshrl.u32 @!p2 s2, $0x3;
	s24 =	sshrl.u32 @!p0 s2, $0x3  }
0x16: {  	s23 =	sshrl.u32 @!p0 s1, $0x3;
	s22 =	sshrl.u32 @!p0 s3, $0x3;
	s21 =	sshrl.u32 @!p0 s4, $0x3  }
0x17: {  	s7 =	sshrl.u32 @p1 s2, $0x3;
	s6 =	sshrl.u32 @p1 s1, $0x3;
	s31 =	sadd.s32 $0x3800, s8  }
0x18: {  	s16 =	sadd.s32 $0x1BEA0, s8;
	s8 =	sshrl.u32 @!p2 s1, $0x3;
	[dreg:$0xc] =	wrdreg s31  }
0x19: {  	s25 =	simm.s32 @!p0 $0x1C03;
	s26 =	simm.s32 @!p0 $0x3  }
0x1a: {  	[spmem:s24], [sflag:s25] =	dma.local @!p0 [hbm:s17], $0x1880  }
0x1b: {  	_ =	swait.ge @!p0 [sflag:s26], $0x1880  }
0x1c: {  	[sflag:s26] =	ssyncset.done @!p0 $0x0  }
0x1d: {  	[sflag:s26] =	ssyncadd.s32 @!p0 $0xFFFFE780  }
0x1e: {  	[spmem:s23], [sflag:s25] =	dma.local @!p0 [hbm:s17], $0x1880  }
0x1f: {  	_ =	swait.ge @!p0 [sflag:s26], $0x1880  }
0x20: {  	[sflag:s26] =	ssyncset.done @!p0 $0x0  }
0x21: {  	s28 =	rddreg [dreg:$0x6];
	[sflag:s26] =	ssyncadd.s32 @!p0 $0xFFFFE780  }
0x22: {  	[spmem:s22], [sflag:s25] =	dma.local @!p0 [hbm:s28], $0x1880  }
0x23: {  	_ =	swait.ge @!p0 [sflag:s26], $0x1880  }
0x24: {  	[sflag:s26] =	ssyncset.done @!p0 $0x0  }
0x25: {  	s28 =	rddreg [dreg:$0x7];
	[sflag:s26] =	ssyncadd.s32 @!p0 $0xFFFFE780  }
0x26: {  	[spmem:s21], [sflag:s25] =	dma.local @!p0 [hbm:s28], $0x1880  }
0x27: {  	_ =	swait.ge @!p0 [sflag:s26], $0x1880  }
0x28: {  	[sflag:s26] =	ssyncset.done @!p0 $0x0  }
0x29: {  	s28 =	rddreg [dreg:$0xc];
	[sflag:s26] =	ssyncadd.s32 @!p0 $0xFFFFE780  }
0x2a: {  	[tilespmem:s19], [sflag:$0x1] =	stream.linear.gather [hbm4b:s28+s5], $0x61A8, $0x38;
	[tilespmem:$0x1B7A0] =	vst v63  }
0x2b: {  	_ = 	snop  }
0x2c: {  	[tilespmem:s9], [sflag:$0x2] =	stream.linear.gather [hbm4b:s16+s5], $0x61A8, $0x38;
	[tilespmem:$0x1B7A0] =	vst v63  }
0x2d: {  	_ =	swait.ge [sflag:s18], $0x61A8  }
0x2e: {  	[sflag:s18] =	ssyncset.done $0x0  }
0x2f: {  	[sflag:s18] =	ssyncadd.s32 $0xFFFF9E58  }
0x30: {  	_ =	swait.ge [sflag:s10], $0x61A8  }
0x31: {  	[sflag:s10] =	ssyncset.done $0x0  }
0x32: {  	[sflag:s10] =	ssyncadd.s32 $0xFFFF9E58  }
0x33: {  	[bflag:$0x0] =	sbarrier.arrive $0xFFFF  }
0x34: {  	[tilespmem:s20], [sflag:$0x1] =	stream.indirect.gather [spmem:s3], $0x1, s19, s11, $0xb8;
	[tilespmem:$0x1B7A0] =	vst v63  }
0x35: {  	_ = 	snop  }
0x36: {  	[tilespmem:s15], [sflag:$0x2] =	stream.indirect.gather [spmem:s4], $0x1, s19, s11, $0xb8;
	[tilespmem:$0x1B7A0] =	vst v63  }
0x37: {  	_ =	swait.ge [sflag:s18], $0x61A8  }
0x38: {  	[sflag:s18] =	ssyncset.done $0x0  }
0x39: {  	[sflag:s18] =	ssyncadd.s32 $0xFFFF9E58  }
0x3a: {  	[spmem:s2] =	stream.indirect.scatter.add.f32 [tilespmem:s20], [sflag:$0x3], $0x1, s9, s11, $0xb8;
	[tilespmem:$0x1B7A0] =	vst v63  }
0x3b: {  	_ =	swait.ge [sflag:s12], $0x61A8  }
0x3c: {  	[sflag:s12] =	ssyncset.done $0x0  }
0x3d: {  	[sflag:s12] =	ssyncadd.s32 $0xFFFF9E58  }
0x3e: {  	_ =	swait.ge [sflag:s10], $0x61A8  }
0x3f: {  	[sflag:s10] =	ssyncset.done $0x0  }
0x40: {  	[sflag:s10] =	ssyncadd.s32 $0xFFFF9E58  }
0x41: {  	[spmem:s1] =	stream.indirect.scatter.add.f32 [tilespmem:s15], [sflag:$0x3], $0x1, s9, s11, $0xb8;
	[tilespmem:$0x1B7A0] =	vst v63  }
0x42: {  	_ =	swait.ge [sflag:s12], $0x61A8  }
0x43: {  	[sflag:s12] =	ssyncset.done $0x0  }
0x44: {  	[sflag:s12] =	ssyncadd.s32 $0xFFFF9E58  }
0x45: {  	[bflag:$0x0] =	sbarrier.arrive $0xFFFF  }
0x46: {  	s30 =	rddreg [dreg:$0x8]  }
0x47: {  	s28 =	sor.u32 @!p2 $0x1C03, s29;
	[dreg:$0xd] =	wrdreg s29;
	s29 =	simm.s32 @!p2 $0x3  }
0x48: {  	[hbm:s30], [sflag:s28] =	dma.local @!p2 [spmem:s14], $0x1880  }
0x49: {  	_ =	swait.ge @!p2 [sflag:s29], $0x1880  }
0x4a: {  	[sflag:s29] =	ssyncset.done @!p2 $0x0  }
0x4b: {  	s30 =	rddreg [dreg:$0x9];
	[sflag:s29] =	ssyncadd.s32 @!p2 $0xFFFFE780  }
0x4c: {  	[hbm:s30], [sflag:s28] =	dma.local @!p2 [spmem:s8], $0x1880  }
0x4d: {  	_ =	swait.ge @!p2 [sflag:s29], $0x1880  }
0x4e: {  	s31 =	simm.s32 @p1 $0x1C03;
	s0 =	sadd.s32 $0xFFFFFFFF, s0;
	[sflag:s29] =	ssyncset.done @!p2 $0x0  }
0x4f: {  	s30 =	simm.s32 @p1 $0x3;
	s13 =	rddreg [dreg:$0xa];
	[sflag:s29] =	ssyncadd.s32 @!p2 $0xFFFFE780  }
0x50: {  	[hbm:s13], [sflag:s31] =	dma.local @p1 [spmem:s7], $0x1880  }
0x51: {  	p4 =	sne.s32 s0, $0x0;
	_ =	swait.ge @p1 [sflag:s30], $0x1880  }
.Ltmp1:
0x52: {  	[sflag:s30] =	ssyncset.done @p1 $0x0;
	(pc) =	sbr.rel @!p4 .LBB2_2-.Ltmp1, $4  }
0x53: {  	s13 =	rddreg [dreg:$0xb];
	[sflag:s30] =	ssyncadd.s32 @p1 $0xFFFFE780  }
0x54: {  	[hbm:s13], [sflag:s31] =	dma.local @p1 [spmem:s6], $0x1880  }
0x55: {  	_ =	swait.ge @p1 [sflag:s30], $0x1880  }
0x56: {  	p3 =	por $0x1, $0x1;
	[sflag:s30] =	ssyncset.done @p1 $0x0  }
.LBB2_3:
0x57: {  	[sflag:s30] =	ssyncadd.s32 @p1 $0xFFFFE780  }
0x58: {  	[spmem:s24], [sflag:s25] =	dma.local @!p0 [hbm:s17], $0x1880  }
0x59: {  	_ =	swait.ge @!p0 [sflag:s26], $0x1880  }
0x5a: {  	[sflag:s26] =	ssyncset.done @!p0 $0x0  }
0x5b: {  	[sflag:s26] =	ssyncadd.s32 @!p0 $0xFFFFE780  }
0x5c: {  	[spmem:s23], [sflag:s25] =	dma.local @!p0 [hbm:s17], $0x1880  }
0x5d: {  	_ =	swait.ge @!p0 [sflag:s26], $0x1880  }
0x5e: {  	[sflag:s26] =	ssyncset.done @!p0 $0x0  }
0x5f: {  	s13 =	rddreg [dreg:$0x6];
	[sflag:s26] =	ssyncadd.s32 @!p0 $0xFFFFE780  }
0x60: {  	[spmem:s22], [sflag:s25] =	dma.local @!p0 [hbm:s13], $0x1880  }
0x61: {  	_ =	swait.ge @!p0 [sflag:s26], $0x1880  }
0x62: {  	[sflag:s26] =	ssyncset.done @!p0 $0x0  }
0x63: {  	s13 =	rddreg [dreg:$0x7];
	[sflag:s26] =	ssyncadd.s32 @!p0 $0xFFFFE780  }
0x64: {  	[spmem:s21], [sflag:s25] =	dma.local @!p0 [hbm:s13], $0x1880  }
0x65: {  	_ =	swait.ge @!p0 [sflag:s26], $0x1880  }
0x66: {  	[sflag:s26] =	ssyncset.done @!p0 $0x0  }
0x67: {  	s13 =	rddreg [dreg:$0xc];
	[sflag:s26] =	ssyncadd.s32 @!p0 $0xFFFFE780  }
0x68: {  	[tilespmem:s19], [sflag:$0x1] =	stream.linear.gather [hbm4b:s13+s5], $0x61A8, $0x38;
	[tilespmem:$0x1B7A0] =	vst v63  }
0x69: {  	_ = 	snop  }
0x6a: {  	[tilespmem:s9], [sflag:$0x2] =	stream.linear.gather [hbm4b:s16+s5], $0x61A8, $0x38;
	[tilespmem:$0x1B7A0] =	vst v63  }
0x6b: {  	_ =	swait.ge [sflag:s18], $0x61A8  }
0x6c: {  	[sflag:s18] =	ssyncset.done $0x0  }
0x6d: {  	[sflag:s18] =	ssyncadd.s32 $0xFFFF9E58  }
0x6e: {  	_ =	swait.ge [sflag:s10], $0x61A8  }
0x6f: {  	[sflag:s10] =	ssyncset.done $0x0  }
0x70: {  	[sflag:s10] =	ssyncadd.s32 $0xFFFF9E58  }
0x71: {  	[bflag:$0x0] =	sbarrier.arrive $0xFFFF  }
0x72: {  	[tilespmem:s20], [sflag:$0x1] =	stream.indirect.gather [spmem:s3], $0x1, s19, s11, $0xb8;
	[tilespmem:$0x1B7A0] =	vst v63  }
0x73: {  	_ = 	snop  }
0x74: {  	[tilespmem:s15], [sflag:$0x2] =	stream.indirect.gather [spmem:s4], $0x1, s19, s11, $0xb8;
	[tilespmem:$0x1B7A0] =	vst v63  }
0x75: {  	_ =	swait.ge [sflag:s18], $0x61A8  }
0x76: {  	[sflag:s18] =	ssyncset.done $0x0  }
0x77: {  	[sflag:s18] =	ssyncadd.s32 $0xFFFF9E58  }
0x78: {  	[spmem:s2] =	stream.indirect.scatter.add.f32 [tilespmem:s20], [sflag:$0x3], $0x1, s9, s11, $0xb8;
	[tilespmem:$0x1B7A0] =	vst v63  }
0x79: {  	_ =	swait.ge [sflag:s12], $0x61A8  }
0x7a: {  	[sflag:s12] =	ssyncset.done $0x0  }
0x7b: {  	[sflag:s12] =	ssyncadd.s32 $0xFFFF9E58  }
0x7c: {  	_ =	swait.ge [sflag:s10], $0x61A8  }
0x7d: {  	[sflag:s10] =	ssyncset.done $0x0  }
0x7e: {  	[sflag:s10] =	ssyncadd.s32 $0xFFFF9E58  }
0x7f: {  	[spmem:s1] =	stream.indirect.scatter.add.f32 [tilespmem:s15], [sflag:$0x3], $0x1, s9, s11, $0xb8;
	[tilespmem:$0x1B7A0] =	vst v63  }
0x80: {  	_ =	swait.ge [sflag:s12], $0x61A8  }
0x81: {  	[sflag:s12] =	ssyncset.done $0x0  }
0x82: {  	[sflag:s12] =	ssyncadd.s32 $0xFFFF9E58  }
0x83: {  	[bflag:$0x0] =	sbarrier.arrive $0xFFFF  }
0x84: {  	s13 =	rddreg [dreg:$0x8]  }
0x85: {  	[hbm:s13], [sflag:s28] =	dma.local @!p2 [spmem:s14], $0x1880  }
0x86: {  	_ =	swait.ge @!p2 [sflag:s29], $0x1880  }
0x87: {  	[sflag:s29] =	ssyncset.done @!p2 $0x0  }
0x88: {  	s13 =	rddreg [dreg:$0x9];
	[sflag:s29] =	ssyncadd.s32 @!p2 $0xFFFFE780  }
0x89: {  	[hbm:s13], [sflag:s28] =	dma.local @!p2 [spmem:s8], $0x1880  }
0x8a: {  	_ =	swait.ge @!p2 [sflag:s29], $0x1880  }
0x8b: {  	[sflag:s29] =	ssyncset.done @!p2 $0x0  }
0x8c: {  	s0 =	sadd.s32 $0xFFFFFFFF, s0;
	s13 =	rddreg [dreg:$0xa];
	[sflag:s29] =	ssyncadd.s32 @!p2 $0xFFFFE780  }
0x8d: {  	[hbm:s13], [sflag:s31] =	dma.local @p1 [spmem:s7], $0x1880  }
0x8e: {  	p4 =	sne.s32 s0, $0x0;
	_ =	swait.ge @p1 [sflag:s30], $0x1880  }
.Ltmp2:
0x8f: {  	[sflag:s30] =	ssyncset.done @p1 $0x0;
	(pc) =	sbr.rel @p4 .LBB2_3-.Ltmp2, $4  }
0x90: {  	s13 =	rddreg [dreg:$0xb];
	[sflag:s30] =	ssyncadd.s32 @p1 $0xFFFFE780  }
0x91: {  	[hbm:s13], [sflag:s31] =	dma.local @p1 [spmem:s6], $0x1880  }
0x92: {  	_ =	swait.ge @p1 [sflag:s30], $0x1880  }
0x93: {  	[sflag:s30] =	ssyncset.done @p1 $0x0  }
0x94: {  	s25 =	rddreg [dreg:$0x5]  }
0x95: {  	s29 =	rddreg [dreg:$0xd]  }
.LBB2_5:
0x96: {  	p3 =	por !p1, !p3  }
0x97: {  	s0 =	simm.s32 @!p0 $0x1C03;
	s13 =	simm.s32 @!p0 $0x3;
	[sflag:s30] =	ssyncadd.s32 @!p3 $0xFFFFE780  }
0x98: {  	[spmem:s24], [sflag:s0] =	dma.local @!p0 [hbm:s17], $0x1880  }
0x99: {  	_ =	swait.ge @!p0 [sflag:s13], $0x1880  }
0x9a: {  	[sflag:s13] =	ssyncset.done @!p0 $0x0  }
0x9b: {  	[sflag:s13] =	ssyncadd.s32 @!p0 $0xFFFFE780  }
0x9c: {  	[spmem:s23], [sflag:s0] =	dma.local @!p0 [hbm:s17], $0x1880  }
0x9d: {  	_ =	swait.ge @!p0 [sflag:s13], $0x1880  }
0x9e: {  	[sflag:s13] =	ssyncset.done @!p0 $0x0  }
0x9f: {  	s17 =	rddreg [dreg:$0x6];
	[sflag:s13] =	ssyncadd.s32 @!p0 $0xFFFFE780  }
0xa0: {  	[spmem:s22], [sflag:s0] =	dma.local @!p0 [hbm:s17], $0x1880  }
0xa1: {  	_ =	swait.ge @!p0 [sflag:s13], $0x1880  }
0xa2: {  	[sflag:s13] =	ssyncset.done @!p0 $0x0  }
0xa3: {  	s17 =	rddreg [dreg:$0x7];
	[sflag:s13] =	ssyncadd.s32 @!p0 $0xFFFFE780  }
0xa4: {  	[spmem:s21], [sflag:s0] =	dma.local @!p0 [hbm:s17], $0x1880  }
0xa5: {  	_ =	swait.ge @!p0 [sflag:s13], $0x1880  }
0xa6: {  	[sflag:s13] =	ssyncset.done @!p0 $0x0  }
0xa7: {  	s31 =	rddreg [dreg:$0xc];
	[sflag:s13] =	ssyncadd.s32 @!p0 $0xFFFFE780  }
0xa8: {  	[tilespmem:s19], [sflag:$0x1] =	stream.linear.gather [hbm4b:s31+s5], $0x61A8, $0x38;
	[tilespmem:$0x1B7A0] =	vst v63  }
0xa9: {  	_ = 	snop  }
0xaa: {  	[tilespmem:s9], [sflag:$0x2] =	stream.linear.gather [hbm4b:s16+s5], $0x61A8, $0x38;
	[tilespmem:$0x1B7A0] =	vst v63  }
0xab: {  	_ =	swait.ge [sflag:s18], $0x61A8  }
0xac: {  	[sflag:s18] =	ssyncset.done $0x0  }
0xad: {  	[sflag:s18] =	ssyncadd.s32 $0xFFFF9E58  }
0xae: {  	_ =	swait.ge [sflag:s10], $0x61A8  }
0xaf: {  	[sflag:s10] =	ssyncset.done $0x0  }
0xb0: {  	[sflag:s10] =	ssyncadd.s32 $0xFFFF9E58  }
0xb1: {  	[bflag:$0x0] =	sbarrier.arrive $0xFFFF  }
0xb2: {  	[tilespmem:s20], [sflag:$0x1] =	stream.indirect.gather [spmem:s3], $0x1, s19, s11, $0xb8;
	[tilespmem:$0x1B7A0] =	vst v63  }
0xb3: {  	_ = 	snop  }
0xb4: {  	[tilespmem:s15], [sflag:$0x2] =	stream.indirect.gather [spmem:s4], $0x1, s19, s11, $0xb8;
	[tilespmem:$0x1B7A0] =	vst v63  }
0xb5: {  	_ =	swait.ge [sflag:s18], $0x61A8  }
0xb6: {  	[sflag:s18] =	ssyncset.done $0x0  }
0xb7: {  	[sflag:s18] =	ssyncadd.s32 $0xFFFF9E58  }
0xb8: {  	[spmem:s2] =	stream.indirect.scatter.add.f32 [tilespmem:s20], [sflag:$0x3], $0x1, s9, s11, $0xb8;
	[tilespmem:$0x1B7A0] =	vst v63  }
0xb9: {  	_ =	swait.ge [sflag:s12], $0x61A8  }
0xba: {  	[sflag:s12] =	ssyncset.done $0x0  }
0xbb: {  	[sflag:s12] =	ssyncadd.s32 $0xFFFF9E58  }
0xbc: {  	_ =	swait.ge [sflag:s10], $0x61A8  }
0xbd: {  	[sflag:s10] =	ssyncset.done $0x0  }
0xbe: {  	[sflag:s10] =	ssyncadd.s32 $0xFFFF9E58  }
0xbf: {  	[spmem:s1] =	stream.indirect.scatter.add.f32 [tilespmem:s15], [sflag:$0x3], $0x1, s9, s11, $0xb8;
	[tilespmem:$0x1B7A0] =	vst v63  }
0xc0: {  	_ =	swait.ge [sflag:s12], $0x61A8  }
0xc1: {  	[sflag:s12] =	ssyncset.done $0x0  }
0xc2: {  	[sflag:s12] =	ssyncadd.s32 $0xFFFF9E58  }
0xc3: {  	[bflag:$0x0] =	sbarrier.arrive $0xFFFF  }
0xc4: {  	s1 =	sor.u32 @!p2 $0x1C03, s29;
	s0 =	rddreg [dreg:$0x8]  }
0xc5: {  	[hbm:s0], [sflag:s1] =	dma.local @!p2 [spmem:s14], $0x1880  }
0xc6: {  	s0 =	simm.s32 @!p2 $0x3  }
0xc7: {  	_ =	swait.ge @!p2 [sflag:s0], $0x1880  }
0xc8: {  	[sflag:s0] =	ssyncset.done @!p2 $0x0  }
0xc9: {  	s2 =	rddreg [dreg:$0x9];
	[sflag:s0] =	ssyncadd.s32 @!p2 $0xFFFFE780  }
0xca: {  	[hbm:s2], [sflag:s1] =	dma.local @!p2 [spmem:s8], $0x1880  }
0xcb: {  	_ =	swait.ge @!p2 [sflag:s0], $0x1880  }
0xcc: {  	[sflag:s0] =	ssyncset.done @!p2 $0x0  }
0xcd: {  	s1 =	rddreg [dreg:$0xa];
	[sflag:s0] =	ssyncadd.s32 @!p2 $0xFFFFE780;
	s0 =	simm.s32 @p1 $0x1C03  }
0xce: {  	[hbm:s1], [sflag:s0] =	dma.local @p1 [spmem:s7], $0x1880  }
0xcf: {  	s1 =	simm.s32 @p1 $0x3  }
0xd0: {  	_ =	swait.ge @p1 [sflag:s1], $0x1880  }
0xd1: {  	[sflag:s1] =	ssyncset.done @p1 $0x0  }
0xd2: {  	s2 =	rddreg [dreg:$0xb];
	[sflag:s1] =	ssyncadd.s32 @p1 $0xFFFFE780  }
0xd3: {  	[hbm:s2], [sflag:s0] =	dma.local @p1 [spmem:s6], $0x1880  }
0xd4: {  	_ =	swait.ge @p1 [sflag:s1], $0x1880  }
0xd5: {  	[sflag:s1] =	ssyncset.done @p1 $0x0  }
0xd6: {  	[sflag:s1] =	ssyncadd.s32 @p1 $0xFFFFE780  }
0xd7: {  	_ =	sfence.sel $0x180000  }
0xd8: {  	[bflag:$0x0] =	sbarrier.arrive $0xFFFF  }
0xd9: {  	_ =	strace $0x9000004A  }
0xda: {  	s0 =	sadd.s32 @!p0 $0x100000, s25;
	[bflag:$0x2] =	sbarrier.arrive $0xFFFF  }
0xdb: {  	[sflag:s0] =	ssyncadd.tile.s32 @!p0 $0x1;
	_ =	shalt  }
.LBB2_2:
.Ltmp3:
0xdc: {  	(pc) =	sbr.rel .LBB2_5-.Ltmp3, $3  }
0xdd: {  	_ =	sdelay $0x1  }
0xde: {  	s25 =	rddreg [dreg:$0x5]  }
0xdf: {  	s29 =	rddreg [dreg:$0xd]  }
.Lfunc_end2:
_tile_overlayer_lowered:
.L_overlay_start_2:
0xe0: {  	(tag) =	ssettag $0x2  }
0xe1: {  	s0 =	rddreg [dreg:$0x0];
	s2 =	stileid.u32  }
0xe2: {  	s1 =	rddreg [dreg:$0x1];
	p0 =	sne.s32 s2, $0x0  }
0xe3: {  	s3 =	rddreg [dreg:$0x2];
	[bflag:$0x3] =	sbarrier.arrive $0xFFFF;
	s2 =	simm.s32 @!p0 $0x1C03  }
0xe4: {  	[timem:s3], [sflag:s2] =	dma.local @!p0 [hbm:s0], s1  }
0xe5: {  	s0 =	simm.s32 @!p0 $0x3  }
0xe6: {  	_ =	swait.ge @!p0 [sflag:s0], s1  }
0xe7: {  	s1 =	ssub.s32 @!p0 $0x0, s1;
	[sflag:s0] =	ssyncset.done @!p0 $0x0  }
0xe8: {  	[sflag:s0] =	ssyncadd.s32 @!p0 s1  }
0xe9: {  	[bflag:$0x3] =	sbarrier.arrive $0xFFFF  }
0xea: {  	_ =	shalt  }

</sc_bundles>
